<compile_context>
chip_gen: v7x
topology: tpu7x:2x2x1
jax: 0.10.2.dev20260603
libtpu: 0.0.44.dev20260713+nightly
codegen_flags: <defaults>
</compile_context>

<pallas_src>
import jax
import jax.numpy as jnp
from jax import lax
from jax.experimental import pallas as pl
from jax.experimental.pallas import tpu as pltpu
from jax.experimental.pallas import tpu_sc as plsc

B = 16384
EMB = 100
PITCH = 128
NFX = 56
NC, NS = 2, 16
NW = NC * NS
BPW = B // NW
CH = 128
NCH = BPW // CH
H1, H2 = 128, 32
BLK = 8192
BLKU = 16384


def _repack_body(in_ref, out_ref):
    out_ref[:, :EMB] = in_ref[:].T


def _repack(tab_t):
    n = tab_t.shape[1]
    grid = (pl.cdiv(n, BLKU),)
    return pl.pallas_call(
        _repack_body,
        grid=grid,
        in_specs=[pl.BlockSpec((EMB, BLKU), lambda i: (0, i))],
        out_specs=pl.BlockSpec((BLKU, PITCH), lambda i: (i, 0)),
        out_shape=jax.ShapeDtypeStruct((n, PITCH), jnp.float32),
        compiler_params=pltpu.CompilerParams(dimension_semantics=("arbitrary",)),
    )(tab_t)


def _gather_body(idx_ref, tab_ref, rows_out, idx_v, b0, b1, b2, b3, gsem, osem):
    bufs = (b0, b1, b2, b3)
    wid = lax.axis_index("s") * NC + lax.axis_index("c")
    base = wid * BPW
    pltpu.sync_copy(idx_ref.at[pl.ds(wid * NCH, NCH)], idx_v)
    gs = [pltpu.async_copy(tab_ref.at[idx_v.at[k]], bufs[k], gsem)
          for k in range(NCH)]
    os = []
    for k in range(NCH):
        gs[k].wait()
        os.append(pltpu.async_copy(
            bufs[k], rows_out.at[pl.ds(base + k * CH, CH)], osem))
    for o in os:
        o.wait()


def _make_gather(n):
    return pl.kernel(
        _gather_body,
        out_type=jax.ShapeDtypeStruct((B, PITCH), jnp.float32),
        mesh=plsc.VectorSubcoreMesh(core_axis_name="c", subcore_axis_name="s",
                                    num_cores=NC, num_subcores=NS),
        scratch_types=[
            pltpu.VMEM((NCH, CH), jnp.int32),
            pltpu.VMEM((CH, PITCH), jnp.float32),
            pltpu.VMEM((CH, PITCH), jnp.float32),
            pltpu.VMEM((CH, PITCH), jnp.float32),
            pltpu.VMEM((CH, PITCH), jnp.float32),
            pltpu.SemaphoreType.DMA,
            pltpu.SemaphoreType.DMA,
        ],
        name=n,
    )


_gather_u = _make_gather("gather_users")
_gather_a = _make_gather("gather_animes")


def _mlp_body(u_ref, a_ref, xt_ref, w1u_ref, w1a_ref, w1f_ref, b1_ref,
              w2_ref, b2_ref, w3_ref, b3_ref, o_ref):
    ft = xt_ref[2:, :]
    h = (jnp.dot(u_ref[:, :EMB], w1u_ref[:], preferred_element_type=jnp.float32)
         + jnp.dot(a_ref[:, :EMB], w1a_ref[:], preferred_element_type=jnp.float32)
         + lax.dot_general(ft, w1f_ref[:], (((0,), (0,)), ((), ())),
                           preferred_element_type=jnp.float32)
         + b1_ref[:])
    h = jnp.maximum(h, 0.0)
    h2 = jnp.dot(h, w2_ref[:], preferred_element_type=jnp.float32) + b2_ref[:]
    h2 = jnp.maximum(h2, 0.0)
    z = jnp.sum(h2 * w3_ref[:], axis=1, keepdims=True) + b3_ref[:]
    o_ref[:] = jax.nn.sigmoid(z)


_mlp = pl.pallas_call(
    _mlp_body,
    grid=(B // BLK,),
    in_specs=[
        pl.BlockSpec((BLK, PITCH), lambda i: (i, 0)),
        pl.BlockSpec((BLK, PITCH), lambda i: (i, 0)),
        pl.BlockSpec((NFX, BLK), lambda i: (0, i)),
        pl.BlockSpec((EMB, H1), lambda i: (0, 0)),
        pl.BlockSpec((EMB, H1), lambda i: (0, 0)),
        pl.BlockSpec((NFX - 2, H1), lambda i: (0, 0)),
        pl.BlockSpec((1, H1), lambda i: (0, 0)),
        pl.BlockSpec((H1, H2), lambda i: (0, 0)),
        pl.BlockSpec((1, H2), lambda i: (0, 0)),
        pl.BlockSpec((1, H2), lambda i: (0, 0)),
        pl.BlockSpec((1, 1), lambda i: (0, 0)),
    ],
    out_specs=pl.BlockSpec((BLK, 1), lambda i: (i, 0)),
    out_shape=jax.ShapeDtypeStruct((B, 1), jnp.float32),
    compiler_params=pltpu.CompilerParams(dimension_semantics=("arbitrary",)),
)


def kernel(x, users, animes, W1, b1, W2, b2, W3, b3):
    uidx = x[:, 0].astype(jnp.int32).reshape(B // CH, CH)
    aidx = x[:, 1].astype(jnp.int32).reshape(B // CH, CH)
    animes_p = _repack(animes.T)
    arows = _gather_a(aidx, animes_p)
    users_p = _repack(users.T)
    urows = _gather_u(uidx, users_p)
    w1u = W1[:, :EMB].T
    w1a = W1[:, EMB:2 * EMB].T
    w1f = W1[:, 2 * EMB:].T
    return _mlp(urows, arows, x.T, w1u, w1a, w1f, b1.reshape(1, H1),
                W2.T, b2.reshape(1, H2), W3, b3.reshape(1, 1))

# --- scband reference (transcript-rebuilt; emitter-appended) ---
"""Pipeline reference for scband-recommendation-net-16484084482565 (READ-ONLY COPY).

The authoritative reference and input builder live on the scoring server;
editing this copy changes nothing except your own understanding.
"""

import jax, jax.numpy as jnp
import numpy as np

N_USERS = 73517
N_ANIMES = 12294
EMB = 100
B = 16384
N_FEAT = 54

def setup_inputs(seed: int = 0) -> dict:
    key = jax.random.key(seed)
    ku, ka, kf, k1, k2, k3, kt1, kt2 = jax.random.split(key, 8)
    user_idx = jax.random.randint(ku, (B,), 0, N_USERS).astype(jnp.float32)
    anime_idx = jax.random.randint(ka, (B,), 0, N_ANIMES).astype(jnp.float32)
    feats = jax.random.normal(kf, (B, N_FEAT), dtype=jnp.float32)
    x = jnp.concatenate([user_idx[:, None], anime_idx[:, None], feats], axis=1)
    users = jax.random.normal(kt1, (N_USERS, EMB), dtype=jnp.float32) * 0.02
    animes = jax.random.normal(kt2, (N_ANIMES, EMB), dtype=jnp.float32) * 0.02
    d_in = EMB + EMB + N_FEAT  # 254? no: 100+100+54 = 254... careful: 254
    W1 = jax.random.normal(k1, (128, d_in), dtype=jnp.float32) * (1.0 / np.sqrt(d_in))
    b1 = jnp.zeros((128,), dtype=jnp.float32)
    W2 = jax.random.normal(k2, (32, 128), dtype=jnp.float32) * (1.0 / np.sqrt(128))
    b2 = jnp.zeros((32,), dtype=jnp.float32)
    W3 = jax.random.normal(k3, (1, 32), dtype=jnp.float32) * (1.0 / np.sqrt(32))
    b3 = jnp.zeros((1,), dtype=jnp.float32)
    return {"x": x, "users": users, "animes": animes, "W1": W1, "b1": b1, "W2": W2, "b2": b2, "W3": W3, "b3": b3}

def reference(x, users, animes, W1, b1, W2, b2, W3, b3):
    user = x[:, 0].astype(jnp.int32)
    anime = x[:, 1].astype(jnp.int32)
    otherfeatures = x[:, 2:]
    userVector = jnp.take(users, user, axis=0)
    animeVector = jnp.take(animes, anime, axis=0)
    layer1 = jnp.concatenate([userVector, animeVector, otherfeatures], axis=1)
    layer2 = jax.nn.relu(layer1 @ W1.T + b1)
    layer3 = jax.nn.relu(layer2 @ W2.T + b2)
    out = jax.nn.sigmoid(layer3 @ W3.T + b3)
    return out

if __name__ == "__main__":
    import jax
    _d = setup_inputs()
    print(jax.jit(kernel)(*tuple(_d.values())))

</pallas_src>

<mosaic_0001>
#map = affine_map<(d0, d1) -> (0, 0)>
module attributes {stable_mosaic.version = 14 : i64} {
  func.func @gather_animes(%arg0: i32, %arg1: i32, %arg2: memref<128x128xi32, #tpu.memory_space<hbm>>, %arg3: memref<12294x128xf32, #tpu.memory_space<hbm>>, %arg4: memref<16384x128xf32, #tpu.memory_space<hbm>>, %arg5: memref<4x128xi32, #tpu.memory_space<vmem>>, %arg6: memref<128x128xf32, #tpu.memory_space<vmem>>, %arg7: memref<128x128xf32, #tpu.memory_space<vmem>>, %arg8: memref<128x128xf32, #tpu.memory_space<vmem>>, %arg9: memref<128x128xf32, #tpu.memory_space<vmem>>, %arg10: memref<!tpu.dma_semaphore, #tpu.memory_space<semaphore_mem>>, %arg11: memref<!tpu.dma_semaphore, #tpu.memory_space<semaphore_mem>>) attributes {dimension_semantics = [#tpu.dimension_semantics<core_parallel>, #tpu.dimension_semantics<subcore_parallel>], iteration_bounds = array<i64: 2, 16>, scalar_prefetch = 0 : i64, scratch_operands = 7 : i64, tpu.core_type = #tpu.core_type<sc_vector_subcore>, window_params = [{transform_indices = #map}, {transform_indices = #map}, {transform_indices = #map}]} {
    %mul3A = arith.constant 2 : i32
    %mul3A_0 = arith.muli %arg1, %mul3A : i32
    %add3A = arith.addi %mul3A_0, %arg0 : i32
    %mul3A_1 = arith.constant 512 : i32
    %mul3A_2 = arith.muli %add3A, %mul3A_1 : i32
    %mul3A_3 = arith.constant 4 : i32
    %mul3A_4 = arith.muli %add3A, %mul3A_3 : i32
    "tpu.region"() ({
      %run_scoped3A = tpu.sem_alloc : memref<!tpu.dma_semaphore, #tpu.memory_space<semaphore_mem>>
      %dma_start3A_99 = arith.constant 0 : i32
      %dma_start3A_100 = tpu.memref_slice %arg2[%mul3A_4, %dma_start3A_99] : memref<128x128xi32, #tpu.memory_space<hbm>> -> memref<4x128xi32, #tpu.memory_space<hbm>>
      %dma_start3A_101 = arith.constant 0 : i32
      %dma_start3A_102 = tpu.memref_slice %arg2[%mul3A_4, %dma_start3A_101] : memref<128x128xi32, #tpu.memory_space<hbm>> -> memref<4x128xi32, #tpu.memory_space<hbm>>
      tpu.enqueue_dma source(%dma_start3A_102 : memref<4x128xi32, #tpu.memory_space<hbm>>) target(%arg5 : memref<4x128xi32, #tpu.memory_space<vmem>>) target_semaphore(%run_scoped3A : memref<!tpu.dma_semaphore, #tpu.memory_space<semaphore_mem>>)
      %dma_wait3A_103 = arith.constant 0 : i32
      %dma_wait3A_104 = tpu.memref_slice %arg2[%mul3A_4, %dma_wait3A_103] : memref<128x128xi32, #tpu.memory_space<hbm>> -> memref<4x128xi32, #tpu.memory_space<hbm>>
      %dma_wait3A_105 = arith.constant 0 : i32
      %dma_wait3A_106 = tpu.memref_slice %arg2[%mul3A_4, %dma_wait3A_105] : memref<128x128xi32, #tpu.memory_space<hbm>> -> memref<4x128xi32, #tpu.memory_space<hbm>>
      tpu.wait_dma2 semaphore(%run_scoped3A : memref<!tpu.dma_semaphore, #tpu.memory_space<semaphore_mem>>) src(%dma_wait3A_106 : memref<4x128xi32, #tpu.memory_space<hbm>>) dst(%arg5 : memref<4x128xi32, #tpu.memory_space<vmem>>)
      tpu.yield
    }) : () -> ()
    %dma_start3A = arith.constant 0 : i32
    %dma_start3A_5 = arith.constant 0 : i32
    %dma_start3A_6 = tpu.memref_slice %arg5[%dma_start3A, %dma_start3A_5] : memref<4x128xi32, #tpu.memory_space<vmem>> -> memref<1x128xi32, #tpu.memory_space<vmem>>
    %dma_start3A_7 = tpu.memref_squeeze %dma_start3A_6 : memref<1x128xi32, #tpu.memory_space<vmem>> -> memref<128xi32, #tpu.memory_space<vmem>>
    %dma_start3A_8 = arith.constant 0 : i32
    %dma_start3A_9 = arith.constant 0 : i32
    %dma_start3A_10 = tpu.memref_slice %arg3[%dma_start3A_8, %dma_start3A_9] : memref<12294x128xf32, #tpu.memory_space<hbm>> -> memref<12294x128xf32, #tpu.memory_space<hbm>>
    tpu.enqueue_indirect_dma source(%dma_start3A_10 : memref<12294x128xf32, #tpu.memory_space<hbm>>) target(%arg6 : memref<128x128xf32, #tpu.memory_space<vmem>>) offsets(%dma_start3A_7 : memref<128xi32, #tpu.memory_space<vmem>>) semaphore(%arg10 : memref<!tpu.dma_semaphore, #tpu.memory_space<semaphore_mem>>)
    %dma_start3A_11 = arith.constant 1 : i32
    %dma_start3A_12 = arith.constant 0 : i32
    %dma_start3A_13 = tpu.memref_slice %arg5[%dma_start3A_11, %dma_start3A_12] : memref<4x128xi32, #tpu.memory_space<vmem>> -> memref<1x128xi32, #tpu.memory_space<vmem>>
    %dma_start3A_14 = tpu.memref_squeeze %dma_start3A_13 : memref<1x128xi32, #tpu.memory_space<vmem>> -> memref<128xi32, #tpu.memory_space<vmem>>
    %dma_start3A_15 = arith.constant 0 : i32
    %dma_start3A_16 = arith.constant 0 : i32
    %dma_start3A_17 = tpu.memref_slice %arg3[%dma_start3A_15, %dma_start3A_16] : memref<12294x128xf32, #tpu.memory_space<hbm>> -> memref<12294x128xf32, #tpu.memory_space<hbm>>
    tpu.enqueue_indirect_dma source(%dma_start3A_17 : memref<12294x128xf32, #tpu.memory_space<hbm>>) target(%arg7 : memref<128x128xf32, #tpu.memory_space<vmem>>) offsets(%dma_start3A_14 : memref<128xi32, #tpu.memory_space<vmem>>) semaphore(%arg10 : memref<!tpu.dma_semaphore, #tpu.memory_space<semaphore_mem>>)
    %dma_start3A_18 = arith.constant 2 : i32
    %dma_start3A_19 = arith.constant 0 : i32
    %dma_start3A_20 = tpu.memref_slice %arg5[%dma_start3A_18, %dma_start3A_19] : memref<4x128xi32, #tpu.memory_space<vmem>> -> memref<1x128xi32, #tpu.memory_space<vmem>>
    %dma_start3A_21 = tpu.memref_squeeze %dma_start3A_20 : memref<1x128xi32, #tpu.memory_space<vmem>> -> memref<128xi32, #tpu.memory_space<vmem>>
    %dma_start3A_22 = arith.constant 0 : i32
    %dma_start3A_23 = arith.constant 0 : i32
    %dma_start3A_24 = tpu.memref_slice %arg3[%dma_start3A_22, %dma_start3A_23] : memref<12294x128xf32, #tpu.memory_space<hbm>> -> memref<12294x128xf32, #tpu.memory_space<hbm>>
    tpu.enqueue_indirect_dma source(%dma_start3A_24 : memref<12294x128xf32, #tpu.memory_space<hbm>>) target(%arg8 : memref<128x128xf32, #tpu.memory_space<vmem>>) offsets(%dma_start3A_21 : memref<128xi32, #tpu.memory_space<vmem>>) semaphore(%arg10 : memref<!tpu.dma_semaphore, #tpu.memory_space<semaphore_mem>>)
    %dma_start3A_25 = arith.constant 3 : i32
    %dma_start3A_26 = arith.constant 0 : i32
    %dma_start3A_27 = tpu.memref_slice %arg5[%dma_start3A_25, %dma_start3A_26] : memref<4x128xi32, #tpu.memory_space<vmem>> -> memref<1x128xi32, #tpu.memory_space<vmem>>
    %dma_start3A_28 = tpu.memref_squeeze %dma_start3A_27 : memref<1x128xi32, #tpu.memory_space<vmem>> -> memref<128xi32, #tpu.memory_space<vmem>>
    %dma_start3A_29 = arith.constant 0 : i32
    %dma_start3A_30 = arith.constant 0 : i32
    %dma_start3A_31 = tpu.memref_slice %arg3[%dma_start3A_29, %dma_start3A_30] : memref<12294x128xf32, #tpu.memory_space<hbm>> -> memref<12294x128xf32, #tpu.memory_space<hbm>>
    tpu.enqueue_indirect_dma source(%dma_start3A_31 : memref<12294x128xf32, #tpu.memory_space<hbm>>) target(%arg9 : memref<128x128xf32, #tpu.memory_space<vmem>>) offsets(%dma_start3A_28 : memref<128xi32, #tpu.memory_space<vmem>>) semaphore(%arg10 : memref<!tpu.dma_semaphore, #tpu.memory_space<semaphore_mem>>)
    %dma_wait3A = arith.constant 0 : i32
    %dma_wait3A_32 = arith.constant 0 : i32
    %dma_wait3A_33 = tpu.memref_slice %arg5[%dma_wait3A, %dma_wait3A_32] : memref<4x128xi32, #tpu.memory_space<vmem>> -> memref<1x128xi32, #tpu.memory_space<vmem>>
    %dma_wait3A_34 = tpu.memref_squeeze %dma_wait3A_33 : memref<1x128xi32, #tpu.memory_space<vmem>> -> memref<128xi32, #tpu.memory_space<vmem>>
    %dma_wait3A_35 = arith.constant 0 : i32
    %dma_wait3A_36 = arith.constant 0 : i32
    %dma_wait3A_37 = tpu.memref_slice %arg3[%dma_wait3A_35, %dma_wait3A_36] : memref<12294x128xf32, #tpu.memory_space<hbm>> -> memref<12294x128xf32, #tpu.memory_space<hbm>>
    tpu.wait_indirect_dma semaphore(%arg10 : memref<!tpu.dma_semaphore, #tpu.memory_space<semaphore_mem>>) src(%dma_wait3A_37 : memref<12294x128xf32, #tpu.memory_space<hbm>>) dst(%arg6 : memref<128x128xf32, #tpu.memory_space<vmem>>)
    %add3A_38 = arith.constant 0 : i32
    %add3A_39 = arith.addi %mul3A_2, %add3A_38 : i32
    %dma_start3A_40 = arith.constant 0 : i32
    %dma_start3A_41 = tpu.memref_slice %arg4[%add3A_39, %dma_start3A_40] : memref<16384x128xf32, #tpu.memory_space<hbm>> -> memref<128x128xf32, #tpu.memory_space<hbm>>
    %dma_start3A_42 = arith.constant 0 : i32
    %dma_start3A_43 = tpu.memref_slice %arg4[%add3A_39, %dma_start3A_42] : memref<16384x128xf32, #tpu.memory_space<hbm>> -> memref<128x128xf32, #tpu.memory_space<hbm>>
    tpu.enqueue_dma source(%arg6 : memref<128x128xf32, #tpu.memory_space<vmem>>) target(%dma_start3A_43 : memref<128x128xf32, #tpu.memory_space<hbm>>) target_semaphore(%arg11 : memref<!tpu.dma_semaphore, #tpu.memory_space<semaphore_mem>>)
    %dma_wait3A_44 = arith.constant 1 : i32
    %dma_wait3A_45 = arith.constant 0 : i32
    %dma_wait3A_46 = tpu.memref_slice %arg5[%dma_wait3A_44, %dma_wait3A_45] : memref<4x128xi32, #tpu.memory_space<vmem>> -> memref<1x128xi32, #tpu.memory_space<vmem>>
    %dma_wait3A_47 = tpu.memref_squeeze %dma_wait3A_46 : memref<1x128xi32, #tpu.memory_space<vmem>> -> memref<128xi32, #tpu.memory_space<vmem>>
    %dma_wait3A_48 = arith.constant 0 : i32
    %dma_wait3A_49 = arith.constant 0 : i32
    %dma_wait3A_50 = tpu.memref_slice %arg3[%dma_wait3A_48, %dma_wait3A_49] : memref<12294x128xf32, #tpu.memory_space<hbm>> -> memref<12294x128xf32, #tpu.memory_space<hbm>>
    tpu.wait_indirect_dma semaphore(%arg10 : memref<!tpu.dma_semaphore, #tpu.memory_space<semaphore_mem>>) src(%dma_wait3A_50 : memref<12294x128xf32, #tpu.memory_space<hbm>>) dst(%arg7 : memref<128x128xf32, #tpu.memory_space<vmem>>)
    %add3A_51 = arith.constant 128 : i32
    %add3A_52 = arith.addi %mul3A_2, %add3A_51 : i32
    %dma_start3A_53 = arith.constant 0 : i32
    %dma_start3A_54 = tpu.memref_slice %arg4[%add3A_52, %dma_start3A_53] : memref<16384x128xf32, #tpu.memory_space<hbm>> -> memref<128x128xf32, #tpu.memory_space<hbm>>
    %dma_start3A_55 = arith.constant 0 : i32
    %dma_start3A_56 = tpu.memref_slice %arg4[%add3A_52, %dma_start3A_55] : memref<16384x128xf32, #tpu.memory_space<hbm>> -> memref<128x128xf32, #tpu.memory_space<hbm>>
    tpu.enqueue_dma source(%arg7 : memref<128x128xf32, #tpu.memory_space<vmem>>) target(%dma_start3A_56 : memref<128x128xf32, #tpu.memory_space<hbm>>) target_semaphore(%arg11 : memref<!tpu.dma_semaphore, #tpu.memory_space<semaphore_mem>>)
    %dma_wait3A_57 = arith.constant 2 : i32
    %dma_wait3A_58 = arith.constant 0 : i32
    %dma_wait3A_59 = tpu.memref_slice %arg5[%dma_wait3A_57, %dma_wait3A_58] : memref<4x128xi32, #tpu.memory_space<vmem>> -> memref<1x128xi32, #tpu.memory_space<vmem>>
    %dma_wait3A_60 = tpu.memref_squeeze %dma_wait3A_59 : memref<1x128xi32, #tpu.memory_space<vmem>> -> memref<128xi32, #tpu.memory_space<vmem>>
    %dma_wait3A_61 = arith.constant 0 : i32
    %dma_wait3A_62 = arith.constant 0 : i32
    %dma_wait3A_63 = tpu.memref_slice %arg3[%dma_wait3A_61, %dma_wait3A_62] : memref<12294x128xf32, #tpu.memory_space<hbm>> -> memref<12294x128xf32, #tpu.memory_space<hbm>>
    tpu.wait_indirect_dma semaphore(%arg10 : memref<!tpu.dma_semaphore, #tpu.memory_space<semaphore_mem>>) src(%dma_wait3A_63 : memref<12294x128xf32, #tpu.memory_space<hbm>>) dst(%arg8 : memref<128x128xf32, #tpu.memory_space<vmem>>)
    %add3A_64 = arith.constant 256 : i32
    %add3A_65 = arith.addi %mul3A_2, %add3A_64 : i32
    %dma_start3A_66 = arith.constant 0 : i32
    %dma_start3A_67 = tpu.memref_slice %arg4[%add3A_65, %dma_start3A_66] : memref<16384x128xf32, #tpu.memory_space<hbm>> -> memref<128x128xf32, #tpu.memory_space<hbm>>
    %dma_start3A_68 = arith.constant 0 : i32
    %dma_start3A_69 = tpu.memref_slice %arg4[%add3A_65, %dma_start3A_68] : memref<16384x128xf32, #tpu.memory_space<hbm>> -> memref<128x128xf32, #tpu.memory_space<hbm>>
    tpu.enqueue_dma source(%arg8 : memref<128x128xf32, #tpu.memory_space<vmem>>) target(%dma_start3A_69 : memref<128x128xf32, #tpu.memory_space<hbm>>) target_semaphore(%arg11 : memref<!tpu.dma_semaphore, #tpu.memory_space<semaphore_mem>>)
    %dma_wait3A_70 = arith.constant 3 : i32
    %dma_wait3A_71 = arith.constant 0 : i32
    %dma_wait3A_72 = tpu.memref_slice %arg5[%dma_wait3A_70, %dma_wait3A_71] : memref<4x128xi32, #tpu.memory_space<vmem>> -> memref<1x128xi32, #tpu.memory_space<vmem>>
    %dma_wait3A_73 = tpu.memref_squeeze %dma_wait3A_72 : memref<1x128xi32, #tpu.memory_space<vmem>> -> memref<128xi32, #tpu.memory_space<vmem>>
    %dma_wait3A_74 = arith.constant 0 : i32
    %dma_wait3A_75 = arith.constant 0 : i32
    %dma_wait3A_76 = tpu.memref_slice %arg3[%dma_wait3A_74, %dma_wait3A_75] : memref<12294x128xf32, #tpu.memory_space<hbm>> -> memref<12294x128xf32, #tpu.memory_space<hbm>>
    tpu.wait_indirect_dma semaphore(%arg10 : memref<!tpu.dma_semaphore, #tpu.memory_space<semaphore_mem>>) src(%dma_wait3A_76 : memref<12294x128xf32, #tpu.memory_space<hbm>>) dst(%arg9 : memref<128x128xf32, #tpu.memory_space<vmem>>)
    %add3A_77 = arith.constant 384 : i32
    %add3A_78 = arith.addi %mul3A_2, %add3A_77 : i32
    %dma_start3A_79 = arith.constant 0 : i32
    %dma_start3A_80 = tpu.memref_slice %arg4[%add3A_78, %dma_start3A_79] : memref<16384x128xf32, #tpu.memory_space<hbm>> -> memref<128x128xf32, #tpu.memory_space<hbm>>
    %dma_start3A_81 = arith.constant 0 : i32
    %dma_start3A_82 = tpu.memref_slice %arg4[%add3A_78, %dma_start3A_81] : memref<16384x128xf32, #tpu.memory_space<hbm>> -> memref<128x128xf32, #tpu.memory_space<hbm>>
    tpu.enqueue_dma source(%arg9 : memref<128x128xf32, #tpu.memory_space<vmem>>) target(%dma_start3A_82 : memref<128x128xf32, #tpu.memory_space<hbm>>) target_semaphore(%arg11 : memref<!tpu.dma_semaphore, #tpu.memory_space<semaphore_mem>>)
    %dma_wait3A_83 = arith.constant 0 : i32
    %dma_wait3A_84 = tpu.memref_slice %arg4[%add3A_39, %dma_wait3A_83] : memref<16384x128xf32, #tpu.memory_space<hbm>> -> memref<128x128xf32, #tpu.memory_space<hbm>>
    %dma_wait3A_85 = arith.constant 0 : i32
    %dma_wait3A_86 = tpu.memref_slice %arg4[%add3A_39, %dma_wait3A_85] : memref<16384x128xf32, #tpu.memory_space<hbm>> -> memref<128x128xf32, #tpu.memory_space<hbm>>
    tpu.wait_dma2 semaphore(%arg11 : memref<!tpu.dma_semaphore, #tpu.memory_space<semaphore_mem>>) src(%arg6 : memref<128x128xf32, #tpu.memory_space<vmem>>) dst(%dma_wait3A_86 : memref<128x128xf32, #tpu.memory_space<hbm>>)
    %dma_wait3A_87 = arith.constant 0 : i32
    %dma_wait3A_88 = tpu.memref_slice %arg4[%add3A_52, %dma_wait3A_87] : memref<16384x128xf32, #tpu.memory_space<hbm>> -> memref<128x128xf32, #tpu.memory_space<hbm>>
    %dma_wait3A_89 = arith.constant 0 : i32
    %dma_wait3A_90 = tpu.memref_slice %arg4[%add3A_52, %dma_wait3A_89] : memref<16384x128xf32, #tpu.memory_space<hbm>> -> memref<128x128xf32, #tpu.memory_space<hbm>>
    tpu.wait_dma2 semaphore(%arg11 : memref<!tpu.dma_semaphore, #tpu.memory_space<semaphore_mem>>) src(%arg7 : memref<128x128xf32, #tpu.memory_space<vmem>>) dst(%dma_wait3A_90 : memref<128x128xf32, #tpu.memory_space<hbm>>)
    %dma_wait3A_91 = arith.constant 0 : i32
    %dma_wait3A_92 = tpu.memref_slice %arg4[%add3A_65, %dma_wait3A_91] : memref<16384x128xf32, #tpu.memory_space<hbm>> -> memref<128x128xf32, #tpu.memory_space<hbm>>
    %dma_wait3A_93 = arith.constant 0 : i32
    %dma_wait3A_94 = tpu.memref_slice %arg4[%add3A_65, %dma_wait3A_93] : memref<16384x128xf32, #tpu.memory_space<hbm>> -> memref<128x128xf32, #tpu.memory_space<hbm>>
    tpu.wait_dma2 semaphore(%arg11 : memref<!tpu.dma_semaphore, #tpu.memory_space<semaphore_mem>>) src(%arg8 : memref<128x128xf32, #tpu.memory_space<vmem>>) dst(%dma_wait3A_94 : memref<128x128xf32, #tpu.memory_space<hbm>>)
    %dma_wait3A_95 = arith.constant 0 : i32
    %dma_wait3A_96 = tpu.memref_slice %arg4[%add3A_78, %dma_wait3A_95] : memref<16384x128xf32, #tpu.memory_space<hbm>> -> memref<128x128xf32, #tpu.memory_space<hbm>>
    %dma_wait3A_97 = arith.constant 0 : i32
    %dma_wait3A_98 = tpu.memref_slice %arg4[%add3A_78, %dma_wait3A_97] : memref<16384x128xf32, #tpu.memory_space<hbm>> -> memref<128x128xf32, #tpu.memory_space<hbm>>
    tpu.wait_dma2 semaphore(%arg11 : memref<!tpu.dma_semaphore, #tpu.memory_space<semaphore_mem>>) src(%arg9 : memref<128x128xf32, #tpu.memory_space<vmem>>) dst(%dma_wait3A_98 : memref<128x128xf32, #tpu.memory_space<hbm>>)
    return
  }
}

#map = affine_map<(d0, d1) -> (0, 0)>
module attributes {stable_mosaic.version = 14 : i64} {
  func.func @gather_users(%arg0: i32, %arg1: i32, %arg2: memref<128x128xi32, #tpu.memory_space<hbm>>, %arg3: memref<73517x128xf32, #tpu.memory_space<hbm>>, %arg4: memref<16384x128xf32, #tpu.memory_space<hbm>>, %arg5: memref<4x128xi32, #tpu.memory_space<vmem>>, %arg6: memref<128x128xf32, #tpu.memory_space<vmem>>, %arg7: memref<128x128xf32, #tpu.memory_space<vmem>>, %arg8: memref<128x128xf32, #tpu.memory_space<vmem>>, %arg9: memref<128x128xf32, #tpu.memory_space<vmem>>, %arg10: memref<!tpu.dma_semaphore, #tpu.memory_space<semaphore_mem>>, %arg11: memref<!tpu.dma_semaphore, #tpu.memory_space<semaphore_mem>>) attributes {dimension_semantics = [#tpu.dimension_semantics<core_parallel>, #tpu.dimension_semantics<subcore_parallel>], iteration_bounds = array<i64: 2, 16>, scalar_prefetch = 0 : i64, scratch_operands = 7 : i64, tpu.core_type = #tpu.core_type<sc_vector_subcore>, window_params = [{transform_indices = #map}, {transform_indices = #map}, {transform_indices = #map}]} {
    %mul3A = arith.constant 2 : i32
    %mul3A_0 = arith.muli %arg1, %mul3A : i32
    %add3A = arith.addi %mul3A_0, %arg0 : i32
    %mul3A_1 = arith.constant 512 : i32
    %mul3A_2 = arith.muli %add3A, %mul3A_1 : i32
    %mul3A_3 = arith.constant 4 : i32
    %mul3A_4 = arith.muli %add3A, %mul3A_3 : i32
    "tpu.region"() ({
      %run_scoped3A = tpu.sem_alloc : memref<!tpu.dma_semaphore, #tpu.memory_space<semaphore_mem>>
      %dma_start3A_99 = arith.constant 0 : i32
      %dma_start3A_100 = tpu.memref_slice %arg2[%mul3A_4, %dma_start3A_99] : memref<128x128xi32, #tpu.memory_space<hbm>> -> memref<4x128xi32, #tpu.memory_space<hbm>>
      %dma_start3A_101 = arith.constant 0 : i32
      %dma_start3A_102 = tpu.memref_slice %arg2[%mul3A_4, %dma_start3A_101] : memref<128x128xi32, #tpu.memory_space<hbm>> -> memref<4x128xi32, #tpu.memory_space<hbm>>
      tpu.enqueue_dma source(%dma_start3A_102 : memref<4x128xi32, #tpu.memory_space<hbm>>) target(%arg5 : memref<4x128xi32, #tpu.memory_space<vmem>>) target_semaphore(%run_scoped3A : memref<!tpu.dma_semaphore, #tpu.memory_space<semaphore_mem>>)
      %dma_wait3A_103 = arith.constant 0 : i32
      %dma_wait3A_104 = tpu.memref_slice %arg2[%mul3A_4, %dma_wait3A_103] : memref<128x128xi32, #tpu.memory_space<hbm>> -> memref<4x128xi32, #tpu.memory_space<hbm>>
      %dma_wait3A_105 = arith.constant 0 : i32
      %dma_wait3A_106 = tpu.memref_slice %arg2[%mul3A_4, %dma_wait3A_105] : memref<128x128xi32, #tpu.memory_space<hbm>> -> memref<4x128xi32, #tpu.memory_space<hbm>>
      tpu.wait_dma2 semaphore(%run_scoped3A : memref<!tpu.dma_semaphore, #tpu.memory_space<semaphore_mem>>) src(%dma_wait3A_106 : memref<4x128xi32, #tpu.memory_space<hbm>>) dst(%arg5 : memref<4x128xi32, #tpu.memory_space<vmem>>)
      tpu.yield
    }) : () -> ()
    %dma_start3A = arith.constant 0 : i32
    %dma_start3A_5 = arith.constant 0 : i32
    %dma_start3A_6 = tpu.memref_slice %arg5[%dma_start3A, %dma_start3A_5] : memref<4x128xi32, #tpu.memory_space<vmem>> -> memref<1x128xi32, #tpu.memory_space<vmem>>
    %dma_start3A_7 = tpu.memref_squeeze %dma_start3A_6 : memref<1x128xi32, #tpu.memory_space<vmem>> -> memref<128xi32, #tpu.memory_space<vmem>>
    %dma_start3A_8 = arith.constant 0 : i32
    %dma_start3A_9 = arith.constant 0 : i32
    %dma_start3A_10 = tpu.memref_slice %arg3[%dma_start3A_8, %dma_start3A_9] : memref<73517x128xf32, #tpu.memory_space<hbm>> -> memref<73517x128xf32, #tpu.memory_space<hbm>>
    tpu.enqueue_indirect_dma source(%dma_start3A_10 : memref<73517x128xf32, #tpu.memory_space<hbm>>) target(%arg6 : memref<128x128xf32, #tpu.memory_space<vmem>>) offsets(%dma_start3A_7 : memref<128xi32, #tpu.memory_space<vmem>>) semaphore(%arg10 : memref<!tpu.dma_semaphore, #tpu.memory_space<semaphore_mem>>)
    %dma_start3A_11 = arith.constant 1 : i32
    %dma_start3A_12 = arith.constant 0 : i32
    %dma_start3A_13 = tpu.memref_slice %arg5[%dma_start3A_11, %dma_start3A_12] : memref<4x128xi32, #tpu.memory_space<vmem>> -> memref<1x128xi32, #tpu.memory_space<vmem>>
    %dma_start3A_14 = tpu.memref_squeeze %dma_start3A_13 : memref<1x128xi32, #tpu.memory_space<vmem>> -> memref<128xi32, #tpu.memory_space<vmem>>
    %dma_start3A_15 = arith.constant 0 : i32
    %dma_start3A_16 = arith.constant 0 : i32
    %dma_start3A_17 = tpu.memref_slice %arg3[%dma_start3A_15, %dma_start3A_16] : memref<73517x128xf32, #tpu.memory_space<hbm>> -> memref<73517x128xf32, #tpu.memory_space<hbm>>
    tpu.enqueue_indirect_dma source(%dma_start3A_17 : memref<73517x128xf32, #tpu.memory_space<hbm>>) target(%arg7 : memref<128x128xf32, #tpu.memory_space<vmem>>) offsets(%dma_start3A_14 : memref<128xi32, #tpu.memory_space<vmem>>) semaphore(%arg10 : memref<!tpu.dma_semaphore, #tpu.memory_space<semaphore_mem>>)
    %dma_start3A_18 = arith.constant 2 : i32
    %dma_start3A_19 = arith.constant 0 : i32
    %dma_start3A_20 = tpu.memref_slice %arg5[%dma_start3A_18, %dma_start3A_19] : memref<4x128xi32, #tpu.memory_space<vmem>> -> memref<1x128xi32, #tpu.memory_space<vmem>>
    %dma_start3A_21 = tpu.memref_squeeze %dma_start3A_20 : memref<1x128xi32, #tpu.memory_space<vmem>> -> memref<128xi32, #tpu.memory_space<vmem>>
    %dma_start3A_22 = arith.constant 0 : i32
    %dma_start3A_23 = arith.constant 0 : i32
    %dma_start3A_24 = tpu.memref_slice %arg3[%dma_start3A_22, %dma_start3A_23] : memref<73517x128xf32, #tpu.memory_space<hbm>> -> memref<73517x128xf32, #tpu.memory_space<hbm>>
    tpu.enqueue_indirect_dma source(%dma_start3A_24 : memref<73517x128xf32, #tpu.memory_space<hbm>>) target(%arg8 : memref<128x128xf32, #tpu.memory_space<vmem>>) offsets(%dma_start3A_21 : memref<128xi32, #tpu.memory_space<vmem>>) semaphore(%arg10 : memref<!tpu.dma_semaphore, #tpu.memory_space<semaphore_mem>>)
    %dma_start3A_25 = arith.constant 3 : i32
    %dma_start3A_26 = arith.constant 0 : i32
    %dma_start3A_27 = tpu.memref_slice %arg5[%dma_start3A_25, %dma_start3A_26] : memref<4x128xi32, #tpu.memory_space<vmem>> -> memref<1x128xi32, #tpu.memory_space<vmem>>
    %dma_start3A_28 = tpu.memref_squeeze %dma_start3A_27 : memref<1x128xi32, #tpu.memory_space<vmem>> -> memref<128xi32, #tpu.memory_space<vmem>>
    %dma_start3A_29 = arith.constant 0 : i32
    %dma_start3A_30 = arith.constant 0 : i32
    %dma_start3A_31 = tpu.memref_slice %arg3[%dma_start3A_29, %dma_start3A_30] : memref<73517x128xf32, #tpu.memory_space<hbm>> -> memref<73517x128xf32, #tpu.memory_space<hbm>>
    tpu.enqueue_indirect_dma source(%dma_start3A_31 : memref<73517x128xf32, #tpu.memory_space<hbm>>) target(%arg9 : memref<128x128xf32, #tpu.memory_space<vmem>>) offsets(%dma_start3A_28 : memref<128xi32, #tpu.memory_space<vmem>>) semaphore(%arg10 : memref<!tpu.dma_semaphore, #tpu.memory_space<semaphore_mem>>)
    %dma_wait3A = arith.constant 0 : i32
    %dma_wait3A_32 = arith.constant 0 : i32
    %dma_wait3A_33 = tpu.memref_slice %arg5[%dma_wait3A, %dma_wait3A_32] : memref<4x128xi32, #tpu.memory_space<vmem>> -> memref<1x128xi32, #tpu.memory_space<vmem>>
    %dma_wait3A_34 = tpu.memref_squeeze %dma_wait3A_33 : memref<1x128xi32, #tpu.memory_space<vmem>> -> memref<128xi32, #tpu.memory_space<vmem>>
    %dma_wait3A_35 = arith.constant 0 : i32
    %dma_wait3A_36 = arith.constant 0 : i32
    %dma_wait3A_37 = tpu.memref_slice %arg3[%dma_wait3A_35, %dma_wait3A_36] : memref<73517x128xf32, #tpu.memory_space<hbm>> -> memref<73517x128xf32, #tpu.memory_space<hbm>>
    tpu.wait_indirect_dma semaphore(%arg10 : memref<!tpu.dma_semaphore, #tpu.memory_space<semaphore_mem>>) src(%dma_wait3A_37 : memref<73517x128xf32, #tpu.memory_space<hbm>>) dst(%arg6 : memref<128x128xf32, #tpu.memory_space<vmem>>)
    %add3A_38 = arith.constant 0 : i32
    %add3A_39 = arith.addi %mul3A_2, %add3A_38 : i32
    %dma_start3A_40 = arith.constant 0 : i32
    %dma_start3A_41 = tpu.memref_slice %arg4[%add3A_39, %dma_start3A_40] : memref<16384x128xf32, #tpu.memory_space<hbm>> -> memref<128x128xf32, #tpu.memory_space<hbm>>
    %dma_start3A_42 = arith.constant 0 : i32
    %dma_start3A_43 = tpu.memref_slice %arg4[%add3A_39, %dma_start3A_42] : memref<16384x128xf32, #tpu.memory_space<hbm>> -> memref<128x128xf32, #tpu.memory_space<hbm>>
    tpu.enqueue_dma source(%arg6 : memref<128x128xf32, #tpu.memory_space<vmem>>) target(%dma_start3A_43 : memref<128x128xf32, #tpu.memory_space<hbm>>) target_semaphore(%arg11 : memref<!tpu.dma_semaphore, #tpu.memory_space<semaphore_mem>>)
    %dma_wait3A_44 = arith.constant 1 : i32
    %dma_wait3A_45 = arith.constant 0 : i32
    %dma_wait3A_46 = tpu.memref_slice %arg5[%dma_wait3A_44, %dma_wait3A_45] : memref<4x128xi32, #tpu.memory_space<vmem>> -> memref<1x128xi32, #tpu.memory_space<vmem>>
    %dma_wait3A_47 = tpu.memref_squeeze %dma_wait3A_46 : memref<1x128xi32, #tpu.memory_space<vmem>> -> memref<128xi32, #tpu.memory_space<vmem>>
    %dma_wait3A_48 = arith.constant 0 : i32
    %dma_wait3A_49 = arith.constant 0 : i32
    %dma_wait3A_50 = tpu.memref_slice %arg3[%dma_wait3A_48, %dma_wait3A_49] : memref<73517x128xf32, #tpu.memory_space<hbm>> -> memref<73517x128xf32, #tpu.memory_space<hbm>>
    tpu.wait_indirect_dma semaphore(%arg10 : memref<!tpu.dma_semaphore, #tpu.memory_space<semaphore_mem>>) src(%dma_wait3A_50 : memref<73517x128xf32, #tpu.memory_space<hbm>>) dst(%arg7 : memref<128x128xf32, #tpu.memory_space<vmem>>)
    %add3A_51 = arith.constant 128 : i32
    %add3A_52 = arith.addi %mul3A_2, %add3A_51 : i32
    %dma_start3A_53 = arith.constant 0 : i32
    %dma_start3A_54 = tpu.memref_slice %arg4[%add3A_52, %dma_start3A_53] : memref<16384x128xf32, #tpu.memory_space<hbm>> -> memref<128x128xf32, #tpu.memory_space<hbm>>
    %dma_start3A_55 = arith.constant 0 : i32
    %dma_start3A_56 = tpu.memref_slice %arg4[%add3A_52, %dma_start3A_55] : memref<16384x128xf32, #tpu.memory_space<hbm>> -> memref<128x128xf32, #tpu.memory_space<hbm>>
    tpu.enqueue_dma source(%arg7 : memref<128x128xf32, #tpu.memory_space<vmem>>) target(%dma_start3A_56 : memref<128x128xf32, #tpu.memory_space<hbm>>) target_semaphore(%arg11 : memref<!tpu.dma_semaphore, #tpu.memory_space<semaphore_mem>>)
    %dma_wait3A_57 = arith.constant 2 : i32
    %dma_wait3A_58 = arith.constant 0 : i32
    %dma_wait3A_59 = tpu.memref_slice %arg5[%dma_wait3A_57, %dma_wait3A_58] : memref<4x128xi32, #tpu.memory_space<vmem>> -> memref<1x128xi32, #tpu.memory_space<vmem>>
    %dma_wait3A_60 = tpu.memref_squeeze %dma_wait3A_59 : memref<1x128xi32, #tpu.memory_space<vmem>> -> memref<128xi32, #tpu.memory_space<vmem>>
    %dma_wait3A_61 = arith.constant 0 : i32
    %dma_wait3A_62 = arith.constant 0 : i32
    %dma_wait3A_63 = tpu.memref_slice %arg3[%dma_wait3A_61, %dma_wait3A_62] : memref<73517x128xf32, #tpu.memory_space<hbm>> -> memref<73517x128xf32, #tpu.memory_space<hbm>>
    tpu.wait_indirect_dma semaphore(%arg10 : memref<!tpu.dma_semaphore, #tpu.memory_space<semaphore_mem>>) src(%dma_wait3A_63 : memref<73517x128xf32, #tpu.memory_space<hbm>>) dst(%arg8 : memref<128x128xf32, #tpu.memory_space<vmem>>)
    %add3A_64 = arith.constant 256 : i32
    %add3A_65 = arith.addi %mul3A_2, %add3A_64 : i32
    %dma_start3A_66 = arith.constant 0 : i32
    %dma_start3A_67 = tpu.memref_slice %arg4[%add3A_65, %dma_start3A_66] : memref<16384x128xf32, #tpu.memory_space<hbm>> -> memref<128x128xf32, #tpu.memory_space<hbm>>
    %dma_start3A_68 = arith.constant 0 : i32
    %dma_start3A_69 = tpu.memref_slice %arg4[%add3A_65, %dma_start3A_68] : memref<16384x128xf32, #tpu.memory_space<hbm>> -> memref<128x128xf32, #tpu.memory_space<hbm>>
    tpu.enqueue_dma source(%arg8 : memref<128x128xf32, #tpu.memory_space<vmem>>) target(%dma_start3A_69 : memref<128x128xf32, #tpu.memory_space<hbm>>) target_semaphore(%arg11 : memref<!tpu.dma_semaphore, #tpu.memory_space<semaphore_mem>>)
    %dma_wait3A_70 = arith.constant 3 : i32
    %dma_wait3A_71 = arith.constant 0 : i32
    %dma_wait3A_72 = tpu.memref_slice %arg5[%dma_wait3A_70, %dma_wait3A_71] : memref<4x128xi32, #tpu.memory_space<vmem>> -> memref<1x128xi32, #tpu.memory_space<vmem>>
    %dma_wait3A_73 = tpu.memref_squeeze %dma_wait3A_72 : memref<1x128xi32, #tpu.memory_space<vmem>> -> memref<128xi32, #tpu.memory_space<vmem>>
    %dma_wait3A_74 = arith.constant 0 : i32
    %dma_wait3A_75 = arith.constant 0 : i32
    %dma_wait3A_76 = tpu.memref_slice %arg3[%dma_wait3A_74, %dma_wait3A_75] : memref<73517x128xf32, #tpu.memory_space<hbm>> -> memref<73517x128xf32, #tpu.memory_space<hbm>>
    tpu.wait_indirect_dma semaphore(%arg10 : memref<!tpu.dma_semaphore, #tpu.memory_space<semaphore_mem>>) src(%dma_wait3A_76 : memref<73517x128xf32, #tpu.memory_space<hbm>>) dst(%arg9 : memref<128x128xf32, #tpu.memory_space<vmem>>)
    %add3A_77 = arith.constant 384 : i32
    %add3A_78 = arith.addi %mul3A_2, %add3A_77 : i32
    %dma_start3A_79 = arith.constant 0 : i32
    %dma_start3A_80 = tpu.memref_slice %arg4[%add3A_78, %dma_start3A_79] : memref<16384x128xf32, #tpu.memory_space<hbm>> -> memref<128x128xf32, #tpu.memory_space<hbm>>
    %dma_start3A_81 = arith.constant 0 : i32
    %dma_start3A_82 = tpu.memref_slice %arg4[%add3A_78, %dma_start3A_81] : memref<16384x128xf32, #tpu.memory_space<hbm>> -> memref<128x128xf32, #tpu.memory_space<hbm>>
    tpu.enqueue_dma source(%arg9 : memref<128x128xf32, #tpu.memory_space<vmem>>) target(%dma_start3A_82 : memref<128x128xf32, #tpu.memory_space<hbm>>) target_semaphore(%arg11 : memref<!tpu.dma_semaphore, #tpu.memory_space<semaphore_mem>>)
    %dma_wait3A_83 = arith.constant 0 : i32
    %dma_wait3A_84 = tpu.memref_slice %arg4[%add3A_39, %dma_wait3A_83] : memref<16384x128xf32, #tpu.memory_space<hbm>> -> memref<128x128xf32, #tpu.memory_space<hbm>>
    %dma_wait3A_85 = arith.constant 0 : i32
    %dma_wait3A_86 = tpu.memref_slice %arg4[%add3A_39, %dma_wait3A_85] : memref<16384x128xf32, #tpu.memory_space<hbm>> -> memref<128x128xf32, #tpu.memory_space<hbm>>
    tpu.wait_dma2 semaphore(%arg11 : memref<!tpu.dma_semaphore, #tpu.memory_space<semaphore_mem>>) src(%arg6 : memref<128x128xf32, #tpu.memory_space<vmem>>) dst(%dma_wait3A_86 : memref<128x128xf32, #tpu.memory_space<hbm>>)
    %dma_wait3A_87 = arith.constant 0 : i32
    %dma_wait3A_88 = tpu.memref_slice %arg4[%add3A_52, %dma_wait3A_87] : memref<16384x128xf32, #tpu.memory_space<hbm>> -> memref<128x128xf32, #tpu.memory_space<hbm>>
    %dma_wait3A_89 = arith.constant 0 : i32
    %dma_wait3A_90 = tpu.memref_slice %arg4[%add3A_52, %dma_wait3A_89] : memref<16384x128xf32, #tpu.memory_space<hbm>> -> memref<128x128xf32, #tpu.memory_space<hbm>>
    tpu.wait_dma2 semaphore(%arg11 : memref<!tpu.dma_semaphore, #tpu.memory_space<semaphore_mem>>) src(%arg7 : memref<128x128xf32, #tpu.memory_space<vmem>>) dst(%dma_wait3A_90 : memref<128x128xf32, #tpu.memory_space<hbm>>)
    %dma_wait3A_91 = arith.constant 0 : i32
    %dma_wait3A_92 = tpu.memref_slice %arg4[%add3A_65, %dma_wait3A_91] : memref<16384x128xf32, #tpu.memory_space<hbm>> -> memref<128x128xf32, #tpu.memory_space<hbm>>
    %dma_wait3A_93 = arith.constant 0 : i32
    %dma_wait3A_94 = tpu.memref_slice %arg4[%add3A_65, %dma_wait3A_93] : memref<16384x128xf32, #tpu.memory_space<hbm>> -> memref<128x128xf32, #tpu.memory_space<hbm>>
    tpu.wait_dma2 semaphore(%arg11 : memref<!tpu.dma_semaphore, #tpu.memory_space<semaphore_mem>>) src(%arg8 : memref<128x128xf32, #tpu.memory_space<vmem>>) dst(%dma_wait3A_94 : memref<128x128xf32, #tpu.memory_space<hbm>>)
    %dma_wait3A_95 = arith.constant 0 : i32
    %dma_wait3A_96 = tpu.memref_slice %arg4[%add3A_78, %dma_wait3A_95] : memref<16384x128xf32, #tpu.memory_space<hbm>> -> memref<128x128xf32, #tpu.memory_space<hbm>>
    %dma_wait3A_97 = arith.constant 0 : i32
    %dma_wait3A_98 = tpu.memref_slice %arg4[%add3A_78, %dma_wait3A_97] : memref<16384x128xf32, #tpu.memory_space<hbm>> -> memref<128x128xf32, #tpu.memory_space<hbm>>
    tpu.wait_dma2 semaphore(%arg11 : memref<!tpu.dma_semaphore, #tpu.memory_space<semaphore_mem>>) src(%arg9 : memref<128x128xf32, #tpu.memory_space<vmem>>) dst(%dma_wait3A_98 : memref<128x128xf32, #tpu.memory_space<hbm>>)
    return
  }
}

module attributes {stable_mosaic.version = 14 : i64} {
  func.func @_repack_body(%arg0: i32, %arg1: memref<100x16384xf32, #tpu.memory_space<vmem>>, %arg2: memref<16384x128xf32, #tpu.memory_space<vmem>>) attributes {dimension_semantics = [#tpu.dimension_semantics<arbitrary>], iteration_bounds = array<i64: 1>, scalar_prefetch = 0 : i64, scratch_operands = 0 : i64, tpu.core_type = #tpu.core_type<tc>, window_params = [{transform_indices = @transform_0, window_bounds = array<i64: 100, 16384>}, {transform_indices = @transform_1, window_bounds = array<i64: 16384, 128>}]} {
    %get3A = arith.constant 0 : index
    %get3A_0 = arith.constant 0 : index
    %get3A_1 = vector.load %arg1[%get3A, %get3A_0] : memref<100x16384xf32, #tpu.memory_space<vmem>>, vector<100x16384xf32>
    %transpose3A = tpu.transpose %get3A_1, [1, 0] : vector<100x16384xf32> -> vector<16384x100xf32>
    %swap3A = arith.constant 0 : index
    %swap3A_2 = arith.constant 0 : index
    %swap3A_3 = vector.load %arg2[%swap3A, %swap3A_2] : memref<16384x128xf32, #tpu.memory_space<vmem>>, vector<16384x100xf32>
    tpu.vector_store %arg2[%swap3A, %swap3A_2], %transpose3A {strides = array<i32>} : memref<16384x128xf32, #tpu.memory_space<vmem>>, vector<16384x100xf32>,
    return
  }
  func.func @transform_0(%arg0: i32) -> (i32, i32) {
    %c0_i32 = arith.constant 0 : i32
    %c0_i32_0 = arith.constant 0 : i32
    return %c0_i32, %arg0 : i32, i32
  }
  func.func @transform_1(%arg0: i32) -> (i32, i32) {
    %c0_i32 = arith.constant 0 : i32
    %c0_i32_0 = arith.constant 0 : i32
    return %arg0, %c0_i32 : i32, i32
  }
}

module attributes {stable_mosaic.version = 14 : i64} {
  func.func @_repack_body(%arg0: i32, %arg1: memref<100x16384xf32, #tpu.memory_space<vmem>>, %arg2: memref<16384x128xf32, #tpu.memory_space<vmem>>) attributes {dimension_semantics = [#tpu.dimension_semantics<arbitrary>], iteration_bounds = array<i64: 5>, scalar_prefetch = 0 : i64, scratch_operands = 0 : i64, tpu.core_type = #tpu.core_type<tc>, window_params = [{transform_indices = @transform_0, window_bounds = array<i64: 100, 16384>}, {transform_indices = @transform_1, window_bounds = array<i64: 16384, 128>}]} {
    %get3A = arith.constant 0 : index
    %get3A_0 = arith.constant 0 : index
    %get3A_1 = vector.load %arg1[%get3A, %get3A_0] : memref<100x16384xf32, #tpu.memory_space<vmem>>, vector<100x16384xf32>
    %transpose3A = tpu.transpose %get3A_1, [1, 0] : vector<100x16384xf32> -> vector<16384x100xf32>
    %swap3A = arith.constant 0 : index
    %swap3A_2 = arith.constant 0 : index
    %swap3A_3 = vector.load %arg2[%swap3A, %swap3A_2] : memref<16384x128xf32, #tpu.memory_space<vmem>>, vector<16384x100xf32>
    tpu.vector_store %arg2[%swap3A, %swap3A_2], %transpose3A {strides = array<i32>} : memref<16384x128xf32, #tpu.memory_space<vmem>>, vector<16384x100xf32>,
    return
  }
  func.func @transform_0(%arg0: i32) -> (i32, i32) {
    %c0_i32 = arith.constant 0 : i32
    %c0_i32_0 = arith.constant 0 : i32
    return %c0_i32, %arg0 : i32, i32
  }
  func.func @transform_1(%arg0: i32) -> (i32, i32) {
    %c0_i32 = arith.constant 0 : i32
    %c0_i32_0 = arith.constant 0 : i32
    return %arg0, %c0_i32 : i32, i32
  }
}

module attributes {stable_mosaic.version = 14 : i64} {
  func.func @_mlp_body(%arg0: i32, %arg1: memref<8192x128xf32, #tpu.memory_space<vmem>>, %arg2: memref<8192x128xf32, #tpu.memory_space<vmem>>, %arg3: memref<56x8192xf32, #tpu.memory_space<vmem>>, %arg4: memref<100x128xf32, #tpu.memory_space<vmem>>, %arg5: memref<100x128xf32, #tpu.memory_space<vmem>>, %arg6: memref<54x128xf32, #tpu.memory_space<vmem>>, %arg7: memref<1x128xf32, #tpu.memory_space<vmem>>, %arg8: memref<128x32xf32, #tpu.memory_space<vmem>>, %arg9: memref<1x32xf32, #tpu.memory_space<vmem>>, %arg10: memref<1x32xf32, #tpu.memory_space<vmem>>, %arg11: memref<1x1xf32, #tpu.memory_space<vmem>>, %arg12: memref<8192x1xf32, #tpu.memory_space<vmem>>) attributes {dimension_semantics = [#tpu.dimension_semantics<arbitrary>], iteration_bounds = array<i64: 2>, scalar_prefetch = 0 : i64, scratch_operands = 0 : i64, tpu.core_type = #tpu.core_type<tc>, window_params = [{transform_indices = @transform_0, window_bounds = array<i64: 8192, 128>}, {transform_indices = @transform_1, window_bounds = array<i64: 8192, 128>}, {transform_indices = @transform_2, window_bounds = array<i64: 56, 8192>}, {pipeline_mode = #tpu.pipeline_mode<synchronous>, transform_indices = @transform_3, window_bounds = array<i64: 100, 128>}, {pipeline_mode = #tpu.pipeline_mode<synchronous>, transform_indices = @transform_4, window_bounds = array<i64: 100, 128>}, {pipeline_mode = #tpu.pipeline_mode<synchronous>, transform_indices = @transform_5, window_bounds = array<i64: 54, 128>}, {pipeline_mode = #tpu.pipeline_mode<synchronous>, transform_indices = @transform_6, window_bounds = array<i64: 1, 128>}, {pipeline_mode = #tpu.pipeline_mode<synchronous>, transform_indices = @transform_7, window_bounds = array<i64: 128, 32>}, {pipeline_mode = #tpu.pipeline_mode<synchronous>, transform_indices = @transform_8, window_bounds = array<i64: 1, 32>}, {pipeline_mode = #tpu.pipeline_mode<synchronous>, transform_indices = @transform_9, window_bounds = array<i64: 1, 32>}, {pipeline_mode = #tpu.pipeline_mode<synchronous>, transform_indices = @transform_10, window_bounds = array<i64: 1, 1>}, {transform_indices = @transform_11, window_bounds = array<i64: 8192, 1>}]} {
    %get3A = arith.constant 2 : index
    %get3A_0 = arith.constant 0 : index
    %get3A_1 = vector.load %arg3[%get3A, %get3A_0] : memref<56x8192xf32, #tpu.memory_space<vmem>>, vector<54x8192xf32>
    %get3A_2 = arith.constant 0 : index
    %get3A_3 = arith.constant 0 : index
    %get3A_4 = vector.load %arg1[%get3A_2, %get3A_3] : memref<8192x128xf32, #tpu.memory_space<vmem>>, vector<8192x100xf32>
    %get3A_5 = arith.constant 0 : index
    %get3A_6 = arith.constant 0 : index
    %get3A_7 = vector.load %arg4[%get3A_5, %get3A_6] : memref<100x128xf32, #tpu.memory_space<vmem>>, vector<100x128xf32>
    %dot_general3A = arith.constant dense<0.000000e+00> : vector<8192x128xf32>
    %dot_general3A_8 = tpu.matmul %get3A_4, %get3A_7, %dot_general3A {dimension_numbers = #tpu.dot_dimension_numbers<[1], [0], [0], [1], [0, 0, 1, 1], [], []>, transpose_lhs_hint = false} : vector<8192x100xf32>, vector<100x128xf32>, vector<8192x128xf32> -> vector<8192x128xf32>
    %get3A_9 = arith.constant 0 : index
    %get3A_10 = arith.constant 0 : index
    %get3A_11 = vector.load %arg2[%get3A_9, %get3A_10] : memref<8192x128xf32, #tpu.memory_space<vmem>>, vector<8192x100xf32>
    %get3A_12 = arith.constant 0 : index
    %get3A_13 = arith.constant 0 : index
    %get3A_14 = vector.load %arg5[%get3A_12, %get3A_13] : memref<100x128xf32, #tpu.memory_space<vmem>>, vector<100x128xf32>
    %dot_general3A_15 = arith.constant dense<0.000000e+00> : vector<8192x128xf32>
    %dot_general3A_16 = tpu.matmul %get3A_11, %get3A_14, %dot_general3A_15 {dimension_numbers = #tpu.dot_dimension_numbers<[1], [0], [0], [1], [0, 0, 1, 1], [], []>, transpose_lhs_hint = false} : vector<8192x100xf32>, vector<100x128xf32>, vector<8192x128xf32> -> vector<8192x128xf32>
    %add3A = arith.addf %dot_general3A_8, %dot_general3A_16 : vector<8192x128xf32>
    %get3A_17 = arith.constant 0 : index
    %get3A_18 = arith.constant 0 : index
    %get3A_19 = vector.load %arg6[%get3A_17, %get3A_18] : memref<54x128xf32, #tpu.memory_space<vmem>>, vector<54x128xf32>
    %dot_general3A_20 = arith.constant dense<0.000000e+00> : vector<8192x128xf32>
    %dot_general3A_21 = tpu.matmul %get3A_1, %get3A_19, %dot_general3A_20 {dimension_numbers = #tpu.dot_dimension_numbers<[0], [0], [1], [1], [0, 1, 1, 1], [], []>, transpose_lhs_hint = false} : vector<54x8192xf32>, vector<54x128xf32>, vector<8192x128xf32> -> vector<8192x128xf32>
    %add3A_22 = arith.addf %add3A, %dot_general3A_21 : vector<8192x128xf32>
    %get3A_23 = arith.constant 0 : index
    %get3A_24 = arith.constant 0 : index
    %get3A_25 = vector.load %arg7[%get3A_23, %get3A_24] : memref<1x128xf32, #tpu.memory_space<vmem>>, vector<1x128xf32>
    %add3A_26 = vector.broadcast %get3A_25 : vector<1x128xf32> to vector<8192x128xf32>
    %add3A_27 = arith.addf %add3A_22, %add3A_26 : vector<8192x128xf32>
    %max3A = arith.constant 0.000000e+00 : f32
    %max3A_28 = vector.broadcast %max3A : f32 to vector<8192x128xf32>
    %max3A_29 = arith.maximumf %add3A_27, %max3A_28 : vector<8192x128xf32>
    %get3A_30 = arith.constant 0 : index
    %get3A_31 = arith.constant 0 : index
    %get3A_32 = vector.load %arg8[%get3A_30, %get3A_31] : memref<128x32xf32, #tpu.memory_space<vmem>>, vector<128x32xf32>
    %dot_general3A_33 = arith.constant dense<0.000000e+00> : vector<8192x32xf32>
    %dot_general3A_34 = tpu.matmul %max3A_29, %get3A_32, %dot_general3A_33 {dimension_numbers = #tpu.dot_dimension_numbers<[1], [0], [0], [1], [0, 0, 1, 1], [], []>, transpose_lhs_hint = false} : vector<8192x128xf32>, vector<128x32xf32>, vector<8192x32xf32> -> vector<8192x32xf32>
    %get3A_35 = arith.constant 0 : index
    %get3A_36 = arith.constant 0 : index
    %get3A_37 = vector.load %arg9[%get3A_35, %get3A_36] : memref<1x32xf32, #tpu.memory_space<vmem>>, vector<1x32xf32>
    %add3A_38 = vector.broadcast %get3A_37 : vector<1x32xf32> to vector<8192x32xf32>
    %add3A_39 = arith.addf %dot_general3A_34, %add3A_38 : vector<8192x32xf32>
    %max3A_40 = arith.constant 0.000000e+00 : f32
    %max3A_41 = vector.broadcast %max3A_40 : f32 to vector<8192x32xf32>
    %max3A_42 = arith.maximumf %add3A_39, %max3A_41 : vector<8192x32xf32>
    %get3A_43 = arith.constant 0 : index
    %get3A_44 = arith.constant 0 : index
    %get3A_45 = vector.load %arg10[%get3A_43, %get3A_44] : memref<1x32xf32, #tpu.memory_space<vmem>>, vector<1x32xf32>
    %mul3A = vector.broadcast %get3A_45 : vector<1x32xf32> to vector<8192x32xf32>
    %mul3A_46 = arith.mulf %max3A_42, %mul3A : vector<8192x32xf32>
    %reduce_sum3A = arith.constant dense<0.000000e+00> : vector<8192xf32>
    %reduce_sum3A_47 = vector.multi_reduction <add>, %mul3A_46, %reduce_sum3A [1] : vector<8192x32xf32> to vector<8192xf32>
    %broadcast_in_dim3A = vector.shape_cast %reduce_sum3A_47 : vector<8192xf32> to vector<8192x1xf32>
    %get3A_48 = arith.constant 0 : index
    %get3A_49 = arith.constant 0 : index
    %get3A_50 = vector.load %arg11[%get3A_48, %get3A_49] : memref<1x1xf32, #tpu.memory_space<vmem>>, vector<1x1xf32>
    %add3A_51 = vector.broadcast %get3A_50 : vector<1x1xf32> to vector<8192x1xf32>
    %add3A_52 = arith.addf %broadcast_in_dim3A, %add3A_51 : vector<8192x1xf32>
    %logistic3A = arith.negf %add3A_52 : vector<8192x1xf32>
    %logistic3A_53 = math.exp %logistic3A : vector<8192x1xf32>
    %logistic3A_54 = arith.constant 1.000000e+00 : f32
    %logistic3A_55 = vector.broadcast %logistic3A_54 : f32 to vector<8192x1xf32>
    %logistic3A_56 = arith.addf %logistic3A_55, %logistic3A_53 : vector<8192x1xf32>
    %logistic3A_57 = arith.divf %logistic3A_55, %logistic3A_56 : vector<8192x1xf32>
    %swap3A = arith.constant 0 : index
    %swap3A_58 = arith.constant 0 : index
    %swap3A_59 = vector.load %arg12[%swap3A, %swap3A_58] : memref<8192x1xf32, #tpu.memory_space<vmem>>, vector<8192x1xf32>
    tpu.vector_store %arg12[%swap3A, %swap3A_58], %logistic3A_57 {strides = array<i32>} : memref<8192x1xf32, #tpu.memory_space<vmem>>, vector<8192x1xf32>,
    return
  }
  func.func @transform_0(%arg0: i32) -> (i32, i32) {
    %c0_i32 = arith.constant 0 : i32
    %c0_i32_0 = arith.constant 0 : i32
    return %arg0, %c0_i32 : i32, i32
  }
  func.func @transform_1(%arg0: i32) -> (i32, i32) {
    %c0_i32 = arith.constant 0 : i32
    %c0_i32_0 = arith.constant 0 : i32
    return %arg0, %c0_i32 : i32, i32
  }
  func.func @transform_2(%arg0: i32) -> (i32, i32) {
    %c0_i32 = arith.constant 0 : i32
    %c0_i32_0 = arith.constant 0 : i32
    return %c0_i32, %arg0 : i32, i32
  }
  func.func @transform_3(%arg0: i32) -> (i32, i32) {
    %c0_i32 = arith.constant 0 : i32
    %c0_i32_0 = arith.constant 0 : i32
    %c0_i32_1 = arith.constant 0 : i32
    return %c0_i32, %c0_i32_0 : i32, i32
  }
  func.func @transform_4(%arg0: i32) -> (i32, i32) {
    %c0_i32 = arith.constant 0 : i32
    %c0_i32_0 = arith.constant 0 : i32
    %c0_i32_1 = arith.constant 0 : i32
    return %c0_i32, %c0_i32_0 : i32, i32
  }
  func.func @transform_5(%arg0: i32) -> (i32, i32) {
    %c0_i32 = arith.constant 0 : i32
    %c0_i32_0 = arith.constant 0 : i32
    %c0_i32_1 = arith.constant 0 : i32
    return %c0_i32, %c0_i32_0 : i32, i32
  }
  func.func @transform_6(%arg0: i32) -> (i32, i32) {
    %c0_i32 = arith.constant 0 : i32
    %c0_i32_0 = arith.constant 0 : i32
    %c0_i32_1 = arith.constant 0 : i32
    return %c0_i32, %c0_i32_0 : i32, i32
  }
  func.func @transform_7(%arg0: i32) -> (i32, i32) {
    %c0_i32 = arith.constant 0 : i32
    %c0_i32_0 = arith.constant 0 : i32
    %c0_i32_1 = arith.constant 0 : i32
    return %c0_i32, %c0_i32_0 : i32, i32
  }
  func.func @transform_8(%arg0: i32) -> (i32, i32) {
    %c0_i32 = arith.constant 0 : i32
    %c0_i32_0 = arith.constant 0 : i32
    %c0_i32_1 = arith.constant 0 : i32
    return %c0_i32, %c0_i32_0 : i32, i32
  }
  func.func @transform_9(%arg0: i32) -> (i32, i32) {
    %c0_i32 = arith.constant 0 : i32
    %c0_i32_0 = arith.constant 0 : i32
    %c0_i32_1 = arith.constant 0 : i32
    return %c0_i32, %c0_i32_0 : i32, i32
  }
  func.func @transform_10(%arg0: i32) -> (i32, i32) {
    %c0_i32 = arith.constant 0 : i32
    %c0_i32_0 = arith.constant 0 : i32
    %c0_i32_1 = arith.constant 0 : i32
    return %c0_i32, %c0_i32_0 : i32, i32
  }
  func.func @transform_11(%arg0: i32) -> (i32, i32) {
    %c0_i32 = arith.constant 0 : i32
    %c0_i32_0 = arith.constant 0 : i32
    return %arg0, %c0_i32 : i32, i32
  }
}

</mosaic_0001>

<sc_bundles>
// kernel: gather_animes.3.cloned.1.call-start
scs
__scs_entry_jumppad:
0x0: {  	(pc) =	sbr.rel $0x88, $3  }
0x1: {  	(tag) =	ssettag $0x0;
	lr =	simm.s32 $0x1  }
0x2: {  	[smem:$0x3F98] =	sst lr;
	_ =	strace $0xD0000000  }
0x3: {  	_ = 	snop  }
0x4: {  	_ = 	snop  }
0x5: {  	_ = 	snop  }
0x6: {  	_ = 	snop  }
0x7: {  	_ = 	snop  }
__scs_overlays_trampoline_lowered:
0x8: {  	[smem:$0x3FA7] =	sst s0  }
0x9: {  	[smem:$0x3FA8] =	sst s1  }
0xa: {  	[smem:$0x3FA9] =	sst s2  }
0xb: {  	[smem:$0x3FAA] =	sst s3  }
0xc: {  	[smem:$0x3FAB] =	sst s4  }
0xd: {  	[smem:$0x3FAC] =	sst s5  }
0xe: {  	[smem:$0x3FAD] =	sst s6  }
0xf: {  	[smem:$0x3FAE] =	sst s7  }
0x10: {  	[smem:$0x3FAF] =	sst s8  }
0x11: {  	[smem:$0x3FB0] =	sst s9;
	s0 =	simm.s32 @!p0 $0x0  }
0x12: {  	s1 =	sld [smem:$0x3F96];
	s0 =	simm.s32 @p0 $0x1  }
0x13: {  	[smem:$0x3FB1] =	sst s0;
	s0 =	simm.s32 @!p1 $0x0  }
0x14: {  	s2 =	sld [smem:$0x3F95];
	s0 =	simm.s32 @p1 $0x1  }
0x15: {  	[smem:$0x3FB2] =	sst s0;
	s0 =	simm.s32 @!p2 $0x0  }
0x16: {  	s3 =	sld [smem:$0x3FDB];
	s0 =	simm.s32 @p2 $0x1  }
0x17: {  	s4 =	simm.s32 $0x1BF5;
	[smem:$0x3FB4] =	sst s0  }
0x18: {  	s0 =	sld [smem:$0x3F97];
	_ =	swait.ge [sflag:s4], $0x0  }
0x19: {  	s7 =	sld [smem:$0x3F98]  }
0x1a: {  	s8 =	sadd.s32 $0xFFFFE003, lr  }
0x1b: {  	s9 =	sadd.s32 $0xFFFFFEF7, lr;
	s5 =	simm.s32 $0xFFFFFFFF;
	p2 =	slt.u32 s8, $0xFFFFF086  }
0x1c: {  	p1 =	slt.u32 s9, $0xF7A;
	s5 =	simm.s32 @!p2 $0x0  }
0x1d: {  	s5 =	simm.s32 @p1 $0x1;
	p0 =	seq.s32 s7, s2  }
0x1e: {  	s7 =	smul.u32 @!p0 $0xF7A, s2;
	p2 =	seq.s32 @!p0 s5, $0x0  }
0x1f: {  	s9 =	smul.u32 $0xF7A, s1;
	s8 =	simm.s32 @!p0 $0x1BF5;
	p2 =	por !p2, p0  }
0x20: {  	[sflag:s8] =	ssyncset.s32 @!p0 $0xFFFFF086;
	s6 =	sadd.s32 @!p0 s3, s7;
	s7 =	simm.s32 @!p0 $0x108  }
0x21: {  	s3 =	sadd.s32 s3, s9;
	s6 =	sadd.s32 @!p0 $0x88, s6;
	s7 =	simm.s32 @p2 $0x1082  }
0x22: {  	[simem:s7], [sflag:s8] =	dma.local @!p0 [hbm:s6], $0xF7A  }
0x23: {  	s9 =	sor.u32 $0xD0000000, s2;
	s6 =	simm.s32 $0x108;
	_ =	swait.ge @!p0 [sflag:s8], $0x0  }
0x24: {  	s3 =	sadd.s32 $0x88, s3;
	s6 =	simm.s32 @!p1 $0x1082;
	[sflag:s4] =	ssyncset.s32 $0xFFFFF086  }
0x25: {  	[simem:s6], [sflag:s4] =	dma.local [hbm:s3], $0xF7A  }
0x26: {  	[smem:$0x3F98] =	sst s1;
	(tag) =	ssettag s2;
	_ =	strace s9  }
0x27: {  	s1 =	sld [smem:$0x3FA8]  }
0x28: {  	s2 =	sld [smem:$0x3FA9]  }
0x29: {  	s4 =	sld [smem:$0x3FAB]  }
0x2a: {  	p0 =	seq.s32 s5, $0x0;
	s5 =	sld [smem:$0x3FAC]  }
0x2b: {  	s6 =	sld [smem:$0x3FAD]  }
0x2c: {  	s7 =	sld [smem:$0x3FAE]  }
0x2d: {  	s3 =	simm.s32 $0x108;
	s8 =	sld [smem:$0x3FAF]  }
0x2e: {  	s3 =	simm.s32 @!p0 $0x1082;
	s9 =	sld [smem:$0x3FB0]  }
0x2f: {  	lr =	sadd.s32 s0, s3;
	s0 =	sld [smem:$0x3FA7]  }
0x30: {  	s3 =	sld [smem:$0x3FAA]  }
0x31: {  	[smem:$0x3FB3] =	sst s10  }
0x32: {  	s10 =	sld [smem:$0x3FB1];
	_ =	sdelay $0x3  }
0x33: {  	p0 =	seq.s32 s10, $0x1;
	s10 =	sld [smem:$0x3FB3];
	_ =	sdelay $0x3  }
0x34: {  	[smem:$0x3FB3] =	sst s10  }
0x35: {  	s10 =	sld [smem:$0x3FB2];
	_ =	sdelay $0x3  }
0x36: {  	p1 =	seq.s32 s10, $0x1;
	s10 =	sld [smem:$0x3FB3];
	_ =	sdelay $0x3  }
0x37: {  	[smem:$0x3FB3] =	sst s10  }
0x38: {  	s10 =	sld [smem:$0x3FB4]  }
0x39: {  	_ = 	snop;
	(pc) =	sbr.ind lr, $3  }
0x3a: {  	_ = 	snop  }
0x3b: {  	_ = 	snop  }
0x3c: {  	p2 =	seq.s32 s10, $0x1;
	s10 =	sld [smem:$0x3FB3]  }
0x3d: {  	_ =	shalt  }
0x3e: {  	_ =	shalt  }
0x3f: {  	_ =	shalt  }
0x40: {  	_ =	shalt  }
0x41: {  	_ =	shalt  }
0x42: {  	_ =	shalt  }
0x43: {  	_ =	shalt  }
0x44: {  	_ =	shalt  }
0x45: {  	_ =	shalt  }
0x46: {  	_ =	shalt  }
0x47: {  	_ =	shalt  }
0x48: {  	_ =	shalt  }
0x49: {  	_ =	shalt  }
0x4a: {  	_ =	shalt  }
0x4b: {  	_ =	shalt  }
0x4c: {  	_ =	shalt  }
0x4d: {  	_ =	shalt  }
0x4e: {  	_ =	shalt  }
0x4f: {  	_ =	shalt  }
0x50: {  	_ =	shalt  }
0x51: {  	_ =	shalt  }
0x52: {  	_ =	shalt  }
0x53: {  	_ =	shalt  }
0x54: {  	_ =	shalt  }
0x55: {  	_ =	shalt  }
0x56: {  	_ =	shalt  }
0x57: {  	_ =	shalt  }
0x58: {  	_ =	shalt  }
0x59: {  	_ =	shalt  }
0x5a: {  	_ =	shalt  }
0x5b: {  	_ =	shalt  }
0x5c: {  	_ =	shalt  }
0x5d: {  	_ =	shalt  }
0x5e: {  	_ =	shalt  }
0x5f: {  	_ =	shalt  }
0x60: {  	_ =	shalt  }
0x61: {  	_ =	shalt  }
0x62: {  	_ =	shalt  }
0x63: {  	_ =	shalt  }
0x64: {  	_ =	shalt  }
0x65: {  	_ =	shalt  }
0x66: {  	_ =	shalt  }
0x67: {  	_ =	shalt  }
0x68: {  	_ =	shalt  }
0x69: {  	_ =	shalt  }
0x6a: {  	_ =	shalt  }
0x6b: {  	_ =	shalt  }
0x6c: {  	_ =	shalt  }
0x6d: {  	_ =	shalt  }
0x6e: {  	_ =	shalt  }
0x6f: {  	_ =	shalt  }
0x70: {  	_ =	shalt  }
0x71: {  	_ =	shalt  }
0x72: {  	_ =	shalt  }
0x73: {  	_ =	shalt  }
0x74: {  	_ =	shalt  }
0x75: {  	_ =	shalt  }
0x76: {  	_ =	shalt  }
0x77: {  	_ =	shalt  }
0x78: {  	_ =	shalt  }
0x79: {  	_ =	shalt  }
0x7a: {  	_ =	shalt  }
0x7b: {  	_ =	shalt  }
0x7c: {  	_ =	shalt  }
0x7d: {  	_ =	shalt  }
0x7e: {  	_ =	shalt  }
0x7f: {  	_ =	shalt  }
0x80: {  	_ =	shalt  }
0x81: {  	_ =	shalt  }
0x82: {  	_ =	shalt  }
0x83: {  	_ =	shalt  }
0x84: {  	_ =	shalt  }
0x85: {  	_ =	shalt  }
0x86: {  	_ =	shalt  }
0x87: {  	_ =	shalt  }
.Lfunc_end0:
.L_simem_size_0:
called_computation_lowered:
.L_overlay_start_0:
0x88: {  	s2 =	sld [smem:$0x3FD9]  }
0x89: {  	s3 =	sld [smem:$0x3FFE];
	_ =	sdelay $0x1  }
0x8a: {  	s1 =	srdreg.scid  }
0x8b: {  	s0 =	sand.u32 $0x1, s1  }
0x8c: {  	s17 =	sshll.u32 s0, $0xA;
	s2 =	sadd.s32 s3, s2  }
0x8d: {  	s2 =	sadd.s32 s2, s17  }
0x8e: {  	[smem:$0x3FBF] =	sst s2  }
0x8f: {  	_ = 	snop  }
0x90: {  	s18 =	sld [smem:$0x3FD0];
	(tm) =	ssettm $0x1  }
0x91: {  	s19 =	sld [smem:$0x3FFB];
	_ =	sdelay $0x3  }
0x92: {  	_ =	strace s19  }
0x93: {  	s2 =	sld [smem:$0x3FFC];
	_ =	sdelay $0x3  }
0x94: {  	_ =	strace s2  }
0x95: {  	s2 =	sld [smem:$0x3FFD];
	_ =	sdelay $0x3  }
0x96: {  	_ =	strace s2  }
0x97: {  	_ =	strace $0x8FFFFFFF  }
0x98: {  	s20 =	sld [smem:$0x3FDB];
	_ =	sdelay $0x1  }
0x99: {  	s4 =	simm.s32 $_scs_section_size  }
0x9a: {  	s5 =	simm.s32 $_size__tile_overlayer_lowered;
	s6 =	simm.s32 $_tile_overlayer_lowered  }
0x9b: {  	s7 =	simm.s32 $0x1BFF;
	s21 =	sshll.u32 s6, $0x1;
	s4 =	sadd.s32 s4, s20  }
0x9c: {  	s22 =	simm.s32 $0x0;
	s5 =	sshll.u32 s5, $0x1;
	s6 =	sadd.s32 s21, s4  }
0x9d: {  	[timem:s22], [sflag:s7] =	dma.local [hbm:s6], s5  }
0x9e: {  	_ =	swait.ge [sflag:s7], s5  }
0x9f: {  	s5 =	ssub.s32 $0x0, s5;
	[sflag:s7] =	ssyncset.done $0x0  }
0xa0: {  	[sflag:s7] =	ssyncadd.s32 s5;
	_ =	sdelay $0x1  }
0xa1: {  	s23 =	simm.s32 $0x1B8B  }
0xa2: {  	_ =	swait.ge [sflag:s23], $0x1  }
0xa3: {  	[sflag:s23] =	ssyncset.done $0x0  }
0xa4: {  	[sflag:s23] =	ssyncadd.s32 $0xFFFFFFFF  }
0xa5: {  	s5 =	sld [smem:$0x0]  }
0xa6: {  	s6 =	sand.u32 $0xFFFFFFFE, s1  }
0xa7: {  	p0 =	sne.s32 s1, s6  }
0xa8: {  	s6 =	sshll.u32 @p0 s6, $0xE  }
0xa9: {  	s6 =	sadd.s32 @p0 $0x11B8D, s6;
	s7 =	sshll.u32 @p0 s5, $0x11  }
0xaa: {  	s6 =	sor.u32 @p0 s7, s6  }
0xab: {  	[sflag:s6] =	ssyncadd.remote.s32 @p0 $0x1;
	_ =	sdelay $0x1  }
0xac: {  	s6 =	simm.s32 @p0 $0x1B8D  }
0xad: {  	_ =	swait.eq @p0 [sflag:s6], $0x1  }
0xae: {  	[sflag:s6] =	ssyncadd.s32 @p0 $0xFFFFFFFF  }
0xaf: {  	s7 =	sshll.u32 @!p0 s1, $0xE  }
0xb0: {  	s7 =	sor.u32 @!p0 $0x4000, s7;
	s6 =	simm.s32 @!p0 $0x1B8D  }
0xb1: {  	s5 =	sshll.u32 @!p0 s5, $0x11;
	s7 =	sadd.s32 @!p0 $0x11B8D, s7;
	_ =	swait.eq @!p0 [sflag:s6], $0x1  }
0xb2: {  	s5 =	sor.u32 @!p0 s5, s7;
	[sflag:s6] =	ssyncadd.s32 @!p0 $0xFFFFFFFF  }
0xb3: {  	s25 =	simm.s32 $0x1B8E;
	s24 =	sld [smem:$0x3FFE];
	[sflag:s5] =	ssyncadd.remote.s32 @!p0 $0x1  }
0xb4: {  	s26 =	simm.s32 $execute0_lowered;
	[smem:$0x3FD2] =	sst s25  }
0xb5: {  	s6 =	sshll.u32 s26, $0x1;
	_ =	strace $0x80000049;
	[dreg:$0x1] =	wrdreg $0xFFFFFFFF  }
0xb6: {  	s28 =	simm.s32 $_size_execute0_lowered;
	s4 =	sadd.s32 s4, s6;
	[dreg:$0x0] =	wrdreg $0x0  }
0xb7: {  	s6 =	sshll.u32 s28, $0x1;
	[dreg:$0x2] =	wrdreg s4  }
0xb8: {  	[dreg:$0x3] =	wrdreg s6  }
0xb9: {  	[dreg:$0x4] =	wrdreg $0xC0  }
0xba: {  	_ =	task [dreg:s22], $0x5FFFF  }
0xbb: {  	[dreg:$0x1] =	wrdreg $0xFFFFFFFF  }
0xbc: {  	[dreg:$0x0] =	wrdreg $0x60  }
0xbd: {  	[dreg:$0x2] =	wrdreg s18  }
0xbe: {  	[dreg:$0x3] =	wrdreg s24  }
0xbf: {  	[dreg:$0x4] =	wrdreg $0x9  }
0xc0: {  	_ =	task.clear_ibuf [dreg:s22], $0x5FFFF;
	_ =	strace $0x90000049  }
0xc1: {  	s29 =	simm.s32 $0x9;
	_ =	strace $0x8000004B  }
0xc2: {  	_ =	swait.ge [sflag:s29], $0x1  }
0xc3: {  	[sflag:s29] =	ssyncadd.s32 $0xFFFFFFFF  }
0xc4: {  	_ =	strace $0x9000004B  }
0xc5: {  	_ =	sfence  }
0xc6: {  	s30 =	sld [smem:$0x0];
	_ =	sdelay $0x2  }
0xc7: {  	s31 =	sshll.u32 s1, $0xD;
	s1 =	sshrl.u32 s1, $0x2  }
0xc8: {  	s4 =	sand.u32 $0x4000, s31;
	s1 =	sadd.s32 s1, s30  }
0xc9: {  	s0 =	sor.u32 s4, s0;
	s1 =	sshll.u32 s1, $0x11  }
0xca: {  	s0 =	sor.u32 s1, s0  }
0xcb: {  	s0 =	sadd.s32 $0x8F2B, s0  }
0xcc: {  	[sflag:s0] =	ssyncadd.remote.s32 $0x1  }
0xcd: {  	_ =	sfence.sel $0xFFFF  }
0xce: {  	[dreg:$0x0] =	wrdreg $0xFFFFFFFF;
	(pc) =	sbr.abs _section_cstart, $3  }
0xcf: {  	[dreg:$0x1] =	wrdreg $0xFFFFFFFF  }
0xd0: {  	_ =	task.clear_ibuf [dreg:s22], $0x2FFFF;
	_ =	strace $0x9FFFFFFF  }
0xd1: {  	(tm) =	ssettm $0x7FFFFFFF  }
tec
execute0_lowered:
.L_overlay_start_1:
0x0: {  	(tag) =	ssettag $0x1  }
0x1: {  	s3 =	rddreg [dreg:$0x0]  }
0x2: {  	s14 =	rddreg [dreg:$0x1];
	s1 =	srdreg.scid  }
0x3: {  	s0 =	rddreg [dreg:$0x2];
	s19 =	sand.u32 $0x1, s1  }
0x4: {  	s2 =	simm.s32 $0x0;
	s1 =	stileid.u32;
	s4 =	sshll.u32 s19, $0x6  }
0x5: {  	[smem:$0x7FF] =	sst s2;
	s5 =	sshll.u32 s1, $0x7;
	s3 =	sadd.s32 s3, s4  }
0x6: {  	_ =	strace $0x8000004A;
	s4 =	simm.s32 $0x3;
	s3 =	sadd.s32 s5, s3  }
0x7: {  	[tilespmem:s2], [sflag:$0x3] =	stream.linear.gather [hbm4b:s3+s2], $0x200, $0x38;
	[tilespmem:$0x10200] =	vst v63  }
0x8: {  	_ =	swait.ge [sflag:s4], $0x200  }
0x9: {  	s6 =	simm.s32 $0x80;
	[sflag:s4] =	ssyncset.done $0x0  }
0xa: {  	s7 =	simm.s32 $0x200;
	s5 =	sadd.s32 $0x162000, s14;
	[sflag:s4] =	ssyncadd.s32 $0xFFFFFE00  }
0xb: {  	[tilespmem:s7], [sflag:$0x1] =	stream.indirect.gather [hbm4b:s5+s6], $0x80, s2, s6, $0xb8;
	[tilespmem:$0x10200] =	vst v63  }
0xc: {  	s8 =	simm.s32 $0x4200;
	s9 =	simm.s32 $0x100  }
0xd: {  	[tilespmem:s8], [sflag:$0x1] =	stream.indirect.gather [hbm4b:s5+s6], $0x80, s6, s6, $0xb8;
	[tilespmem:$0x10200] =	vst v63  }
0xe: {  	s10 =	simm.s32 $0x8200;
	s11 =	simm.s32 $0x180;
	s12 =	simm.s32 $0xC200  }
0xf: {  	[tilespmem:s10], [sflag:$0x1] =	stream.indirect.gather [hbm4b:s5+s6], $0x80, s9, s6, $0xb8;
	[tilespmem:$0x10200] =	vst v63  }
0x10: {  	s13 =	simm.s32 $0x1;
	s15 =	sshll.u32 s1, $0xE;
	s16 =	sshll.u32 s19, $0xD  }
0x11: {  	[tilespmem:s12], [sflag:$0x1] =	stream.indirect.gather [hbm4b:s5+s6], $0x80, s11, s6, $0xb8;
	[tilespmem:$0x10200] =	vst v63  }
0x12: {  	s15 =	sor.u32 s16, s15;
	_ =	swait.ge [sflag:s13], $0x4000  }
0x13: {  	s17 =	sadd.s32 s15, s14;
	[sflag:s13] =	ssyncset.done $0x0  }
0x14: {  	s14 =	sadd.s32 $0x192200, s17;
	[sflag:s13] =	ssyncadd.s32 $0xFFFFC000  }
0x15: {  	[hbm4b:s14+s2] =	stream.linear.scatter [tilespmem:s7], [sflag:$0x2], $0x4000, $0x38;
	[tilespmem:$0x10200] =	vst v63  }
0x16: {  	_ =	swait.ge [sflag:s13], $0x4000  }
0x17: {  	[sflag:s13] =	ssyncset.done $0x0  }
0x18: {  	s15 =	sadd.s32 $0x192A00, s17;
	[sflag:s13] =	ssyncadd.s32 $0xFFFFC000  }
0x19: {  	[hbm4b:s15+s2] =	stream.linear.scatter [tilespmem:s8], [sflag:$0x2], $0x4000, $0x38;
	[tilespmem:$0x10200] =	vst v63  }
0x1a: {  	_ =	swait.ge [sflag:s13], $0x4000  }
0x1b: {  	[sflag:s13] =	ssyncset.done $0x0  }
0x1c: {  	s16 =	sadd.s32 $0x193200, s17;
	[sflag:s13] =	ssyncadd.s32 $0xFFFFC000  }
0x1d: {  	[hbm4b:s16+s2] =	stream.linear.scatter [tilespmem:s10], [sflag:$0x2], $0x4000, $0x38;
	[tilespmem:$0x10200] =	vst v63  }
0x1e: {  	_ =	swait.ge [sflag:s13], $0x4000  }
0x1f: {  	[sflag:s13] =	ssyncset.done $0x0  }
0x20: {  	s18 =	sadd.s32 $0x193A00, s17;
	s17 =	simm.s32 $0x2;
	[sflag:s13] =	ssyncadd.s32 $0xFFFFC000  }
0x21: {  	[hbm4b:s18+s2] =	stream.linear.scatter [tilespmem:s12], [sflag:$0x2], $0x4000, $0x38;
	[tilespmem:$0x10200] =	vst v63  }
0x22: {  	_ =	swait.ge [sflag:s17], $0x4000  }
0x23: {  	s19 =	ssub.s32 $0x2, s19;
	[sflag:s17] =	ssyncset.done $0x0  }
0x24: {  	s20 =	sshrl.u32 s19, $0x1;
	[sflag:s17] =	ssyncadd.s32 $0xFFFFC000  }
0x25: {  	s19 =	ssub.s32 s19, s20;
	_ =	swait.ge [sflag:s17], $0x4000  }
0x26: {  	s19 =	smax.u32 s19, $0x1;
	[sflag:s17] =	ssyncset.done $0x0  }
0x27: {  	p0 =	sne.s32 s19, $0x1;
	[sflag:s17] =	ssyncadd.s32 $0xFFFFC000  }
.Ltmp0:
0x28: {  	_ =	swait.ge [sflag:s17], $0x4000;
	(pc) =	sbr.rel @!p0 .LBB2_2-.Ltmp0, $4  }
0x29: {  	[sflag:s17] =	ssyncset.done $0x0  }
0x2a: {  	[sflag:s17] =	ssyncadd.s32 $0xFFFFC000  }
0x2b: {  	_ =	swait.ge [sflag:s17], $0x4000  }
0x2c: {  	s19 =	sadd.s32 $0xFFFFFFFF, s19;
	[sflag:s17] =	ssyncset.done $0x0  }
.LBB2_1:
0x2d: {  	p0 =	sne.s32 s19, $0x1;
	s19 =	sadd.s32 $0xFFFFFFFF, s19;
	[sflag:s17] =	ssyncadd.s32 $0xFFFFC000  }
0x2e: {  	[tilespmem:s2], [sflag:$0x3] =	stream.linear.gather [hbm4b:s3+s2], $0x200, $0x38;
	[tilespmem:$0x10200] =	vst v63  }
0x2f: {  	_ =	swait.ge [sflag:s4], $0x200  }
0x30: {  	[sflag:s4] =	ssyncset.done $0x0  }
0x31: {  	[sflag:s4] =	ssyncadd.s32 $0xFFFFFE00  }
0x32: {  	[tilespmem:s7], [sflag:$0x1] =	stream.indirect.gather [hbm4b:s5+s6], $0x80, s2, s6, $0xb8;
	[tilespmem:$0x10200] =	vst v63  }
0x33: {  	_ = 	snop  }
0x34: {  	[tilespmem:s8], [sflag:$0x1] =	stream.indirect.gather [hbm4b:s5+s6], $0x80, s6, s6, $0xb8;
	[tilespmem:$0x10200] =	vst v63  }
0x35: {  	_ = 	snop  }
0x36: {  	[tilespmem:s10], [sflag:$0x1] =	stream.indirect.gather [hbm4b:s5+s6], $0x80, s9, s6, $0xb8;
	[tilespmem:$0x10200] =	vst v63  }
0x37: {  	_ = 	snop  }
0x38: {  	[tilespmem:s12], [sflag:$0x1] =	stream.indirect.gather [hbm4b:s5+s6], $0x80, s11, s6, $0xb8;
	[tilespmem:$0x10200] =	vst v63  }
0x39: {  	_ =	swait.ge [sflag:s13], $0x4000  }
0x3a: {  	[sflag:s13] =	ssyncset.done $0x0  }
0x3b: {  	[sflag:s13] =	ssyncadd.s32 $0xFFFFC000  }
0x3c: {  	[hbm4b:s14+s2] =	stream.linear.scatter [tilespmem:s7], [sflag:$0x2], $0x4000, $0x38;
	[tilespmem:$0x10200] =	vst v63  }
0x3d: {  	_ =	swait.ge [sflag:s13], $0x4000  }
0x3e: {  	[sflag:s13] =	ssyncset.done $0x0  }
0x3f: {  	[sflag:s13] =	ssyncadd.s32 $0xFFFFC000  }
0x40: {  	[hbm4b:s15+s2] =	stream.linear.scatter [tilespmem:s8], [sflag:$0x2], $0x4000, $0x38;
	[tilespmem:$0x10200] =	vst v63  }
0x41: {  	_ =	swait.ge [sflag:s13], $0x4000  }
0x42: {  	[sflag:s13] =	ssyncset.done $0x0  }
0x43: {  	[sflag:s13] =	ssyncadd.s32 $0xFFFFC000  }
0x44: {  	[hbm4b:s16+s2] =	stream.linear.scatter [tilespmem:s10], [sflag:$0x2], $0x4000, $0x38;
	[tilespmem:$0x10200] =	vst v63  }
0x45: {  	_ =	swait.ge [sflag:s13], $0x4000  }
0x46: {  	[sflag:s13] =	ssyncset.done $0x0  }
0x47: {  	[sflag:s13] =	ssyncadd.s32 $0xFFFFC000  }
0x48: {  	[hbm4b:s18+s2] =	stream.linear.scatter [tilespmem:s12], [sflag:$0x2], $0x4000, $0x38;
	[tilespmem:$0x10200] =	vst v63  }
0x49: {  	_ =	swait.ge [sflag:s17], $0x4000  }
0x4a: {  	[sflag:s17] =	ssyncset.done $0x0  }
0x4b: {  	[sflag:s17] =	ssyncadd.s32 $0xFFFFC000  }
0x4c: {  	_ =	swait.ge [sflag:s17], $0x4000  }
0x4d: {  	[sflag:s17] =	ssyncset.done $0x0  }
0x4e: {  	[sflag:s17] =	ssyncadd.s32 $0xFFFFC000  }
.Ltmp1:
0x4f: {  	_ =	swait.ge [sflag:s17], $0x4000;
	(pc) =	sbr.rel @p0 .LBB2_1-.Ltmp1, $4  }
0x50: {  	[sflag:s17] =	ssyncset.done $0x0  }
0x51: {  	[sflag:s17] =	ssyncadd.s32 $0xFFFFC000  }
0x52: {  	_ =	swait.ge [sflag:s17], $0x4000  }
0x53: {  	[sflag:s17] =	ssyncset.done $0x0  }
.LBB2_2:
0x54: {  	[sflag:s17] =	ssyncadd.s32 $0xFFFFC000  }
0x55: {  	_ =	sfence.sel $0x180000  }
0x56: {  	[bflag:$0x0] =	sbarrier.arrive $0xFFFF  }
0x57: {  	p0 =	sne.s32 s1, $0x0;
	_ =	strace $0x9000004A  }
0x58: {  	s0 =	sadd.s32 @!p0 $0x100000, s0;
	[bflag:$0x2] =	sbarrier.arrive $0xFFFF  }
0x59: {  	[sflag:s0] =	ssyncadd.tile.s32 @!p0 $0x1;
	_ =	shalt  }
.Lfunc_end2:
_tile_overlayer_lowered:
.L_overlay_start_2:
0x5a: {  	(tag) =	ssettag $0x2  }
0x5b: {  	s0 =	rddreg [dreg:$0x0];
	s2 =	stileid.u32  }
0x5c: {  	s1 =	rddreg [dreg:$0x1];
	p0 =	sne.s32 s2, $0x0  }
0x5d: {  	s3 =	rddreg [dreg:$0x2];
	[bflag:$0x3] =	sbarrier.arrive $0xFFFF;
	s2 =	simm.s32 @!p0 $0x1C03  }
0x5e: {  	[timem:s3], [sflag:s2] =	dma.local @!p0 [hbm:s0], s1  }
0x5f: {  	s0 =	simm.s32 @!p0 $0x3  }
0x60: {  	_ =	swait.ge @!p0 [sflag:s0], s1  }
0x61: {  	s1 =	ssub.s32 @!p0 $0x0, s1;
	[sflag:s0] =	ssyncset.done @!p0 $0x0  }
0x62: {  	[sflag:s0] =	ssyncadd.s32 @!p0 s1  }
0x63: {  	[bflag:$0x3] =	sbarrier.arrive $0xFFFF  }
0x64: {  	_ =	shalt  }

// kernel: gather_users.3.cloned.1.call-start
scs
__scs_entry_jumppad:
0x0: {  	(pc) =	sbr.rel $0x88, $3  }
0x1: {  	(tag) =	ssettag $0x0;
	lr =	simm.s32 $0x1  }
0x2: {  	[smem:$0x3F98] =	sst lr;
	_ =	strace $0xD0000000  }
0x3: {  	_ = 	snop  }
0x4: {  	_ = 	snop  }
0x5: {  	_ = 	snop  }
0x6: {  	_ = 	snop  }
0x7: {  	_ = 	snop  }
__scs_overlays_trampoline_lowered:
0x8: {  	[smem:$0x3FA7] =	sst s0  }
0x9: {  	[smem:$0x3FA8] =	sst s1  }
0xa: {  	[smem:$0x3FA9] =	sst s2  }
0xb: {  	[smem:$0x3FAA] =	sst s3  }
0xc: {  	[smem:$0x3FAB] =	sst s4  }
0xd: {  	[smem:$0x3FAC] =	sst s5  }
0xe: {  	[smem:$0x3FAD] =	sst s6  }
0xf: {  	[smem:$0x3FAE] =	sst s7  }
0x10: {  	[smem:$0x3FAF] =	sst s8  }
0x11: {  	[smem:$0x3FB0] =	sst s9;
	s0 =	simm.s32 @!p0 $0x0  }
0x12: {  	s1 =	sld [smem:$0x3F96];
	s0 =	simm.s32 @p0 $0x1  }
0x13: {  	[smem:$0x3FB1] =	sst s0;
	s0 =	simm.s32 @!p1 $0x0  }
0x14: {  	s2 =	sld [smem:$0x3F95];
	s0 =	simm.s32 @p1 $0x1  }
0x15: {  	[smem:$0x3FB2] =	sst s0;
	s0 =	simm.s32 @!p2 $0x0  }
0x16: {  	s3 =	sld [smem:$0x3FDB];
	s0 =	simm.s32 @p2 $0x1  }
0x17: {  	s4 =	simm.s32 $0x1BF5;
	[smem:$0x3FB4] =	sst s0  }
0x18: {  	s0 =	sld [smem:$0x3F97];
	_ =	swait.ge [sflag:s4], $0x0  }
0x19: {  	s7 =	sld [smem:$0x3F98]  }
0x1a: {  	s8 =	sadd.s32 $0xFFFFE003, lr  }
0x1b: {  	s9 =	sadd.s32 $0xFFFFFEF7, lr;
	s5 =	simm.s32 $0xFFFFFFFF;
	p2 =	slt.u32 s8, $0xFFFFF086  }
0x1c: {  	p1 =	slt.u32 s9, $0xF7A;
	s5 =	simm.s32 @!p2 $0x0  }
0x1d: {  	s5 =	simm.s32 @p1 $0x1;
	p0 =	seq.s32 s7, s2  }
0x1e: {  	s7 =	smul.u32 @!p0 $0xF7A, s2;
	p2 =	seq.s32 @!p0 s5, $0x0  }
0x1f: {  	s9 =	smul.u32 $0xF7A, s1;
	s8 =	simm.s32 @!p0 $0x1BF5;
	p2 =	por !p2, p0  }
0x20: {  	[sflag:s8] =	ssyncset.s32 @!p0 $0xFFFFF086;
	s6 =	sadd.s32 @!p0 s3, s7;
	s7 =	simm.s32 @!p0 $0x108  }
0x21: {  	s3 =	sadd.s32 s3, s9;
	s6 =	sadd.s32 @!p0 $0x88, s6;
	s7 =	simm.s32 @p2 $0x1082  }
0x22: {  	[simem:s7], [sflag:s8] =	dma.local @!p0 [hbm:s6], $0xF7A  }
0x23: {  	s9 =	sor.u32 $0xD0000000, s2;
	s6 =	simm.s32 $0x108;
	_ =	swait.ge @!p0 [sflag:s8], $0x0  }
0x24: {  	s3 =	sadd.s32 $0x88, s3;
	s6 =	simm.s32 @!p1 $0x1082;
	[sflag:s4] =	ssyncset.s32 $0xFFFFF086  }
0x25: {  	[simem:s6], [sflag:s4] =	dma.local [hbm:s3], $0xF7A  }
0x26: {  	[smem:$0x3F98] =	sst s1;
	(tag) =	ssettag s2;
	_ =	strace s9  }
0x27: {  	s1 =	sld [smem:$0x3FA8]  }
0x28: {  	s2 =	sld [smem:$0x3FA9]  }
0x29: {  	s4 =	sld [smem:$0x3FAB]  }
0x2a: {  	p0 =	seq.s32 s5, $0x0;
	s5 =	sld [smem:$0x3FAC]  }
0x2b: {  	s6 =	sld [smem:$0x3FAD]  }
0x2c: {  	s7 =	sld [smem:$0x3FAE]  }
0x2d: {  	s3 =	simm.s32 $0x108;
	s8 =	sld [smem:$0x3FAF]  }
0x2e: {  	s3 =	simm.s32 @!p0 $0x1082;
	s9 =	sld [smem:$0x3FB0]  }
0x2f: {  	lr =	sadd.s32 s0, s3;
	s0 =	sld [smem:$0x3FA7]  }
0x30: {  	s3 =	sld [smem:$0x3FAA]  }
0x31: {  	[smem:$0x3FB3] =	sst s10  }
0x32: {  	s10 =	sld [smem:$0x3FB1];
	_ =	sdelay $0x3  }
0x33: {  	p0 =	seq.s32 s10, $0x1;
	s10 =	sld [smem:$0x3FB3];
	_ =	sdelay $0x3  }
0x34: {  	[smem:$0x3FB3] =	sst s10  }
0x35: {  	s10 =	sld [smem:$0x3FB2];
	_ =	sdelay $0x3  }
0x36: {  	p1 =	seq.s32 s10, $0x1;
	s10 =	sld [smem:$0x3FB3];
	_ =	sdelay $0x3  }
0x37: {  	[smem:$0x3FB3] =	sst s10  }
0x38: {  	s10 =	sld [smem:$0x3FB4]  }
0x39: {  	_ = 	snop;
	(pc) =	sbr.ind lr, $3  }
0x3a: {  	_ = 	snop  }
0x3b: {  	_ = 	snop  }
0x3c: {  	p2 =	seq.s32 s10, $0x1;
	s10 =	sld [smem:$0x3FB3]  }
0x3d: {  	_ =	shalt  }
0x3e: {  	_ =	shalt  }
0x3f: {  	_ =	shalt  }
0x40: {  	_ =	shalt  }
0x41: {  	_ =	shalt  }
0x42: {  	_ =	shalt  }
0x43: {  	_ =	shalt  }
0x44: {  	_ =	shalt  }
0x45: {  	_ =	shalt  }
0x46: {  	_ =	shalt  }
0x47: {  	_ =	shalt  }
0x48: {  	_ =	shalt  }
0x49: {  	_ =	shalt  }
0x4a: {  	_ =	shalt  }
0x4b: {  	_ =	shalt  }
0x4c: {  	_ =	shalt  }
0x4d: {  	_ =	shalt  }
0x4e: {  	_ =	shalt  }
0x4f: {  	_ =	shalt  }
0x50: {  	_ =	shalt  }
0x51: {  	_ =	shalt  }
0x52: {  	_ =	shalt  }
0x53: {  	_ =	shalt  }
0x54: {  	_ =	shalt  }
0x55: {  	_ =	shalt  }
0x56: {  	_ =	shalt  }
0x57: {  	_ =	shalt  }
0x58: {  	_ =	shalt  }
0x59: {  	_ =	shalt  }
0x5a: {  	_ =	shalt  }
0x5b: {  	_ =	shalt  }
0x5c: {  	_ =	shalt  }
0x5d: {  	_ =	shalt  }
0x5e: {  	_ =	shalt  }
0x5f: {  	_ =	shalt  }
0x60: {  	_ =	shalt  }
0x61: {  	_ =	shalt  }
0x62: {  	_ =	shalt  }
0x63: {  	_ =	shalt  }
0x64: {  	_ =	shalt  }
0x65: {  	_ =	shalt  }
0x66: {  	_ =	shalt  }
0x67: {  	_ =	shalt  }
0x68: {  	_ =	shalt  }
0x69: {  	_ =	shalt  }
0x6a: {  	_ =	shalt  }
0x6b: {  	_ =	shalt  }
0x6c: {  	_ =	shalt  }
0x6d: {  	_ =	shalt  }
0x6e: {  	_ =	shalt  }
0x6f: {  	_ =	shalt  }
0x70: {  	_ =	shalt  }
0x71: {  	_ =	shalt  }
0x72: {  	_ =	shalt  }
0x73: {  	_ =	shalt  }
0x74: {  	_ =	shalt  }
0x75: {  	_ =	shalt  }
0x76: {  	_ =	shalt  }
0x77: {  	_ =	shalt  }
0x78: {  	_ =	shalt  }
0x79: {  	_ =	shalt  }
0x7a: {  	_ =	shalt  }
0x7b: {  	_ =	shalt  }
0x7c: {  	_ =	shalt  }
0x7d: {  	_ =	shalt  }
0x7e: {  	_ =	shalt  }
0x7f: {  	_ =	shalt  }
0x80: {  	_ =	shalt  }
0x81: {  	_ =	shalt  }
0x82: {  	_ =	shalt  }
0x83: {  	_ =	shalt  }
0x84: {  	_ =	shalt  }
0x85: {  	_ =	shalt  }
0x86: {  	_ =	shalt  }
0x87: {  	_ =	shalt  }
.Lfunc_end0:
.L_simem_size_0:
called_computation.1_lowered:
.L_overlay_start_0:
0x88: {  	s2 =	sld [smem:$0x3FD9]  }
0x89: {  	s3 =	sld [smem:$0x3FFE];
	_ =	sdelay $0x1  }
0x8a: {  	s1 =	srdreg.scid  }
0x8b: {  	s0 =	sand.u32 $0x1, s1  }
0x8c: {  	s16 =	sshll.u32 s0, $0xA;
	s2 =	sadd.s32 s3, s2  }
0x8d: {  	s2 =	sadd.s32 s2, s16  }
0x8e: {  	[smem:$0x3FBF] =	sst s2  }
0x8f: {  	_ = 	snop  }
0x90: {  	(tm) =	ssettm $0x1  }
0x91: {  	s17 =	sld [smem:$0x3FFB];
	_ =	sdelay $0x3  }
0x92: {  	_ =	strace s17  }
0x93: {  	s2 =	sld [smem:$0x3FFC];
	_ =	sdelay $0x3  }
0x94: {  	_ =	strace s2  }
0x95: {  	s2 =	sld [smem:$0x3FFD];
	_ =	sdelay $0x3  }
0x96: {  	_ =	strace s2  }
0x97: {  	_ =	strace $0x8FFFFFFF  }
0x98: {  	s18 =	sld [smem:$0x3FDB];
	_ =	sdelay $0x1  }
0x99: {  	s19 =	simm.s32 $_scs_section_size  }
0x9a: {  	s4 =	simm.s32 $_size__tile_overlayer_lowered;
	s5 =	simm.s32 $_tile_overlayer_lowered  }
0x9b: {  	s22 =	simm.s32 $0x1BFF;
	s21 =	sshll.u32 s5, $0x1;
	s2 =	sadd.s32 s19, s18  }
0x9c: {  	s6 =	simm.s32 $0x0;
	s20 =	sshll.u32 s4, $0x1;
	s4 =	sadd.s32 s21, s2  }
0x9d: {  	[timem:s6], [sflag:s22] =	dma.local [hbm:s4], s20  }
0x9e: {  	_ =	swait.ge [sflag:s22], s20  }
0x9f: {  	s3 =	ssub.s32 $0x0, s20;
	[sflag:s22] =	ssyncset.done $0x0  }
0xa0: {  	[sflag:s22] =	ssyncadd.s32 s3;
	_ =	sdelay $0x1  }
0xa1: {  	s23 =	simm.s32 $0x1B8B  }
0xa2: {  	_ =	swait.ge [sflag:s23], $0x1  }
0xa3: {  	[sflag:s23] =	ssyncset.done $0x0  }
0xa4: {  	s25 =	simm.s32 $0x1B8E;
	s24 =	sld [smem:$0x3FFE];
	[sflag:s23] =	ssyncadd.s32 $0xFFFFFFFF  }
0xa5: {  	s26 =	simm.s32 $execute0_lowered;
	[smem:$0x3FD2] =	sst s25  }
0xa6: {  	s4 =	sshll.u32 s26, $0x1;
	_ =	strace $0x80000046;
	[dreg:$0x1] =	wrdreg $0xFFFFFFFF  }
0xa7: {  	s28 =	simm.s32 $_size_execute0_lowered;
	s2 =	sadd.s32 s2, s4;
	[dreg:$0x0] =	wrdreg $0x0  }
0xa8: {  	s4 =	sshll.u32 s28, $0x1;
	[dreg:$0x2] =	wrdreg s2  }
0xa9: {  	[dreg:$0x3] =	wrdreg s4  }
0xaa: {  	[dreg:$0x4] =	wrdreg $0xC0  }
0xab: {  	_ =	task [dreg:s6], $0x5FFFF  }
0xac: {  	[dreg:$0x1] =	wrdreg $0xFFFFFFFF  }
0xad: {  	[dreg:$0x0] =	wrdreg $0x60  }
0xae: {  	[dreg:$0x2] =	wrdreg s24  }
0xaf: {  	[dreg:$0x3] =	wrdreg $0xA  }
0xb0: {  	_ =	task.clear_ibuf [dreg:s6], $0x4FFFF;
	_ =	strace $0x90000046  }
0xb1: {  	s29 =	simm.s32 $0xA;
	_ =	strace $0x80000048  }
0xb2: {  	_ =	swait.ge [sflag:s29], $0x1  }
0xb3: {  	[sflag:s29] =	ssyncadd.s32 $0xFFFFFFFF  }
0xb4: {  	_ =	strace $0x90000048  }
0xb5: {  	_ =	sfence  }
0xb6: {  	s30 =	sld [smem:$0x0];
	_ =	sdelay $0x2  }
0xb7: {  	s31 =	sshll.u32 s1, $0xD;
	s1 =	sshrl.u32 s1, $0x2  }
0xb8: {  	s3 =	sand.u32 $0x4000, s31;
	s1 =	sadd.s32 s1, s30  }
0xb9: {  	s0 =	sor.u32 s3, s0;
	s1 =	sshll.u32 s1, $0x11  }
0xba: {  	s0 =	sor.u32 s1, s0  }
0xbb: {  	s0 =	sadd.s32 $0x8F2B, s0  }
0xbc: {  	[sflag:s0] =	ssyncadd.remote.s32 $0x1  }
0xbd: {  	_ =	sfence.sel $0xFFFF  }
0xbe: {  	[dreg:$0x0] =	wrdreg $0xFFFFFFFF;
	(pc) =	sbr.abs _section_cstart, $3  }
0xbf: {  	[dreg:$0x1] =	wrdreg $0xFFFFFFFF  }
0xc0: {  	_ =	task.clear_ibuf [dreg:s6], $0x2FFFF;
	_ =	strace $0x9FFFFFFF  }
0xc1: {  	(tm) =	ssettm $0x7FFFFFFF  }
tec
execute0_lowered:
.L_overlay_start_1:
0x0: {  	(tag) =	ssettag $0x1  }
0x1: {  	s0 =	srdreg.scid  }
0x2: {  	s14 =	rddreg [dreg:$0x0];
	s19 =	sand.u32 $0x1, s0  }
0x3: {  	s1 =	stileid.u32;
	s2 =	simm.s32 $0x0;
	s3 =	sshll.u32 s19, $0x6  }
0x4: {  	s0 =	rddreg [dreg:$0x1];
	s4 =	sshll.u32 s1, $0x7;
	s3 =	sadd.s32 s3, s14  }
0x5: {  	[smem:$0x7FF] =	sst s2;
	s3 =	sadd.s32 s4, s3  }
0x6: {  	_ =	strace $0x80000047;
	s4 =	simm.s32 $0x3;
	s3 =	sadd.s32 $0x2400, s3  }
0x7: {  	[tilespmem:s2], [sflag:$0x3] =	stream.linear.gather [hbm4b:s3+s2], $0x200, $0x38;
	[tilespmem:$0x10200] =	vst v63  }
0x8: {  	_ =	swait.ge [sflag:s4], $0x200  }
0x9: {  	s6 =	simm.s32 $0x80;
	[sflag:s4] =	ssyncset.done $0x0  }
0xa: {  	s7 =	simm.s32 $0x200;
	s5 =	sadd.s32 $0x2C00, s14;
	[sflag:s4] =	ssyncadd.s32 $0xFFFFFE00  }
0xb: {  	[tilespmem:s7], [sflag:$0x1] =	stream.indirect.gather [hbm4b:s5+s6], $0x80, s2, s6, $0xb8;
	[tilespmem:$0x10200] =	vst v63  }
0xc: {  	s8 =	simm.s32 $0x4200;
	s9 =	simm.s32 $0x100  }
0xd: {  	[tilespmem:s8], [sflag:$0x1] =	stream.indirect.gather [hbm4b:s5+s6], $0x80, s6, s6, $0xb8;
	[tilespmem:$0x10200] =	vst v63  }
0xe: {  	s10 =	simm.s32 $0x8200;
	s11 =	simm.s32 $0x180;
	s12 =	simm.s32 $0xC200  }
0xf: {  	[tilespmem:s10], [sflag:$0x1] =	stream.indirect.gather [hbm4b:s5+s6], $0x80, s9, s6, $0xb8;
	[tilespmem:$0x10200] =	vst v63  }
0x10: {  	s13 =	simm.s32 $0x1;
	s15 =	sshll.u32 s1, $0xE;
	s16 =	sshll.u32 s19, $0xD  }
0x11: {  	[tilespmem:s12], [sflag:$0x1] =	stream.indirect.gather [hbm4b:s5+s6], $0x80, s11, s6, $0xb8;
	[tilespmem:$0x10200] =	vst v63  }
0x12: {  	s15 =	sor.u32 s16, s15;
	_ =	swait.ge [sflag:s13], $0x4000  }
0x13: {  	s17 =	sadd.s32 s15, s14;
	[sflag:s13] =	ssyncset.done $0x0  }
0x14: {  	s14 =	sadd.s32 $0x122000, s17;
	[sflag:s13] =	ssyncadd.s32 $0xFFFFC000  }
0x15: {  	[hbm4b:s14+s2] =	stream.linear.scatter [tilespmem:s7], [sflag:$0x2], $0x4000, $0x38;
	[tilespmem:$0x10200] =	vst v63  }
0x16: {  	_ =	swait.ge [sflag:s13], $0x4000  }
0x17: {  	[sflag:s13] =	ssyncset.done $0x0  }
0x18: {  	s15 =	sadd.s32 $0x122800, s17;
	[sflag:s13] =	ssyncadd.s32 $0xFFFFC000  }
0x19: {  	[hbm4b:s15+s2] =	stream.linear.scatter [tilespmem:s8], [sflag:$0x2], $0x4000, $0x38;
	[tilespmem:$0x10200] =	vst v63  }
0x1a: {  	_ =	swait.ge [sflag:s13], $0x4000  }
0x1b: {  	[sflag:s13] =	ssyncset.done $0x0  }
0x1c: {  	s16 =	sadd.s32 $0x123000, s17;
	[sflag:s13] =	ssyncadd.s32 $0xFFFFC000  }
0x1d: {  	[hbm4b:s16+s2] =	stream.linear.scatter [tilespmem:s10], [sflag:$0x2], $0x4000, $0x38;
	[tilespmem:$0x10200] =	vst v63  }
0x1e: {  	_ =	swait.ge [sflag:s13], $0x4000  }
0x1f: {  	[sflag:s13] =	ssyncset.done $0x0  }
0x20: {  	s18 =	sadd.s32 $0x123800, s17;
	s17 =	simm.s32 $0x2;
	[sflag:s13] =	ssyncadd.s32 $0xFFFFC000  }
0x21: {  	[hbm4b:s18+s2] =	stream.linear.scatter [tilespmem:s12], [sflag:$0x2], $0x4000, $0x38;
	[tilespmem:$0x10200] =	vst v63  }
0x22: {  	_ =	swait.ge [sflag:s17], $0x4000  }
0x23: {  	s19 =	ssub.s32 $0x2, s19;
	[sflag:s17] =	ssyncset.done $0x0  }
0x24: {  	s20 =	sshrl.u32 s19, $0x1;
	[sflag:s17] =	ssyncadd.s32 $0xFFFFC000  }
0x25: {  	s19 =	ssub.s32 s19, s20;
	_ =	swait.ge [sflag:s17], $0x4000  }
0x26: {  	s19 =	smax.u32 s19, $0x1;
	[sflag:s17] =	ssyncset.done $0x0  }
0x27: {  	p0 =	sne.s32 s19, $0x1;
	[sflag:s17] =	ssyncadd.s32 $0xFFFFC000  }
.Ltmp0:
0x28: {  	_ =	swait.ge [sflag:s17], $0x4000;
	(pc) =	sbr.rel @!p0 .LBB2_2-.Ltmp0, $4  }
0x29: {  	[sflag:s17] =	ssyncset.done $0x0  }
0x2a: {  	[sflag:s17] =	ssyncadd.s32 $0xFFFFC000  }
0x2b: {  	_ =	swait.ge [sflag:s17], $0x4000  }
0x2c: {  	s19 =	sadd.s32 $0xFFFFFFFF, s19;
	[sflag:s17] =	ssyncset.done $0x0  }
.LBB2_1:
0x2d: {  	p0 =	sne.s32 s19, $0x1;
	s19 =	sadd.s32 $0xFFFFFFFF, s19;
	[sflag:s17] =	ssyncadd.s32 $0xFFFFC000  }
0x2e: {  	[tilespmem:s2], [sflag:$0x3] =	stream.linear.gather [hbm4b:s3+s2], $0x200, $0x38;
	[tilespmem:$0x10200] =	vst v63  }
0x2f: {  	_ =	swait.ge [sflag:s4], $0x200  }
0x30: {  	[sflag:s4] =	ssyncset.done $0x0  }
0x31: {  	[sflag:s4] =	ssyncadd.s32 $0xFFFFFE00  }
0x32: {  	[tilespmem:s7], [sflag:$0x1] =	stream.indirect.gather [hbm4b:s5+s6], $0x80, s2, s6, $0xb8;
	[tilespmem:$0x10200] =	vst v63  }
0x33: {  	_ = 	snop  }
0x34: {  	[tilespmem:s8], [sflag:$0x1] =	stream.indirect.gather [hbm4b:s5+s6], $0x80, s6, s6, $0xb8;
	[tilespmem:$0x10200] =	vst v63  }
0x35: {  	_ = 	snop  }
0x36: {  	[tilespmem:s10], [sflag:$0x1] =	stream.indirect.gather [hbm4b:s5+s6], $0x80, s9, s6, $0xb8;
	[tilespmem:$0x10200] =	vst v63  }
0x37: {  	_ = 	snop  }
0x38: {  	[tilespmem:s12], [sflag:$0x1] =	stream.indirect.gather [hbm4b:s5+s6], $0x80, s11, s6, $0xb8;
	[tilespmem:$0x10200] =	vst v63  }
0x39: {  	_ =	swait.ge [sflag:s13], $0x4000  }
0x3a: {  	[sflag:s13] =	ssyncset.done $0x0  }
0x3b: {  	[sflag:s13] =	ssyncadd.s32 $0xFFFFC000  }
0x3c: {  	[hbm4b:s14+s2] =	stream.linear.scatter [tilespmem:s7], [sflag:$0x2], $0x4000, $0x38;
	[tilespmem:$0x10200] =	vst v63  }
0x3d: {  	_ =	swait.ge [sflag:s13], $0x4000  }
0x3e: {  	[sflag:s13] =	ssyncset.done $0x0  }
0x3f: {  	[sflag:s13] =	ssyncadd.s32 $0xFFFFC000  }
0x40: {  	[hbm4b:s15+s2] =	stream.linear.scatter [tilespmem:s8], [sflag:$0x2], $0x4000, $0x38;
	[tilespmem:$0x10200] =	vst v63  }
0x41: {  	_ =	swait.ge [sflag:s13], $0x4000  }
0x42: {  	[sflag:s13] =	ssyncset.done $0x0  }
0x43: {  	[sflag:s13] =	ssyncadd.s32 $0xFFFFC000  }
0x44: {  	[hbm4b:s16+s2] =	stream.linear.scatter [tilespmem:s10], [sflag:$0x2], $0x4000, $0x38;
	[tilespmem:$0x10200] =	vst v63  }
0x45: {  	_ =	swait.ge [sflag:s13], $0x4000  }
0x46: {  	[sflag:s13] =	ssyncset.done $0x0  }
0x47: {  	[sflag:s13] =	ssyncadd.s32 $0xFFFFC000  }
0x48: {  	[hbm4b:s18+s2] =	stream.linear.scatter [tilespmem:s12], [sflag:$0x2], $0x4000, $0x38;
	[tilespmem:$0x10200] =	vst v63  }
0x49: {  	_ =	swait.ge [sflag:s17], $0x4000  }
0x4a: {  	[sflag:s17] =	ssyncset.done $0x0  }
0x4b: {  	[sflag:s17] =	ssyncadd.s32 $0xFFFFC000  }
0x4c: {  	_ =	swait.ge [sflag:s17], $0x4000  }
0x4d: {  	[sflag:s17] =	ssyncset.done $0x0  }
0x4e: {  	[sflag:s17] =	ssyncadd.s32 $0xFFFFC000  }
.Ltmp1:
0x4f: {  	_ =	swait.ge [sflag:s17], $0x4000;
	(pc) =	sbr.rel @p0 .LBB2_1-.Ltmp1, $4  }
0x50: {  	[sflag:s17] =	ssyncset.done $0x0  }
0x51: {  	[sflag:s17] =	ssyncadd.s32 $0xFFFFC000  }
0x52: {  	_ =	swait.ge [sflag:s17], $0x4000  }
0x53: {  	[sflag:s17] =	ssyncset.done $0x0  }
.LBB2_2:
0x54: {  	[sflag:s17] =	ssyncadd.s32 $0xFFFFC000  }
0x55: {  	_ =	sfence.sel $0x180000  }
0x56: {  	[bflag:$0x0] =	sbarrier.arrive $0xFFFF  }
0x57: {  	p0 =	sne.s32 s1, $0x0;
	_ =	strace $0x90000047  }
0x58: {  	s0 =	sadd.s32 @!p0 $0x100000, s0;
	[bflag:$0x2] =	sbarrier.arrive $0xFFFF  }
0x59: {  	[sflag:s0] =	ssyncadd.tile.s32 @!p0 $0x1;
	_ =	shalt  }
.Lfunc_end2:
_tile_overlayer_lowered:
.L_overlay_start_2:
0x5a: {  	(tag) =	ssettag $0x2  }
0x5b: {  	s0 =	rddreg [dreg:$0x0];
	s2 =	stileid.u32  }
0x5c: {  	s1 =	rddreg [dreg:$0x1];
	p0 =	sne.s32 s2, $0x0  }
0x5d: {  	s3 =	rddreg [dreg:$0x2];
	[bflag:$0x3] =	sbarrier.arrive $0xFFFF;
	s2 =	simm.s32 @!p0 $0x1C03  }
0x5e: {  	[timem:s3], [sflag:s2] =	dma.local @!p0 [hbm:s0], s1  }
0x5f: {  	s0 =	simm.s32 @!p0 $0x3  }
0x60: {  	_ =	swait.ge @!p0 [sflag:s0], s1  }
0x61: {  	s1 =	ssub.s32 @!p0 $0x0, s1;
	[sflag:s0] =	ssyncset.done @!p0 $0x0  }
0x62: {  	[sflag:s0] =	ssyncadd.s32 @!p0 s1  }
0x63: {  	[bflag:$0x3] =	sbarrier.arrive $0xFFFF  }
0x64: {  	_ =	shalt  }

</sc_bundles>
